<compile_context>
chip_gen: v7x
topology: tpu7x:2x2x1
jax: 0.10.2.dev20260603
libtpu: 0.0.44.dev20260713+nightly
codegen_flags: <defaults>
</compile_context>

<pallas_src>
import functools

import jax
import jax.numpy as jnp
from jax import lax
from jax.experimental import pallas as pl
from jax.experimental.pallas import tpu as pltpu
from jax.experimental.pallas import tpu_sc as plsc

NN = 10000
NE = 320000
DF = 128
DE = 16
H = 32

NC, NS, L = 2, 16, 16
NW = NC * NS
EPW = NE // NW
CH = 40
NCH = EPW // CH
NP = 10240
ZR = NP // NS


def _node_proj(x, W1a, W1b):
    def body(x_ref, wa_ref, wb_ref, pa_ref, pb_ref):
        xv = x_ref[...]
        pa_ref[...] = jnp.dot(xv, wa_ref[...], preferred_element_type=jnp.float32)
        pb_ref[...] = jnp.dot(xv, wb_ref[...], preferred_element_type=jnp.float32)

    return pl.pallas_call(
        body,
        out_shape=[jax.ShapeDtypeStruct((NN, H), jnp.float32)] * 2,
    )(x, W1a, W1b)


def _edge_proj(edge_attr, W1c, b1):
    BLK = 3200
    NB = (NE // 4) // BLK
    dn = (((0,), (0,)), ((), ()))

    def body(e0_ref, e1_ref, e2_ref, e3_ref, w_ref, b_ref, out_ref):
        w = w_ref[...]
        b = b_ref[...]
        for kk, ek in enumerate((e0_ref, e1_ref, e2_ref, e3_ref)):
            out_ref[:, kk * H:(kk + 1) * H] = (
                lax.dot_general(ek[...], w, dn,
                                preferred_element_type=jnp.float32) + b
            )

    ea_specs = [
        pl.BlockSpec((DE, BLK), lambda i, kk=kk: (0, kk * NB + i))
        for kk in range(4)
    ]
    eaT = edge_attr.T
    return pl.pallas_call(
        body,
        grid=(NB,),
        in_specs=ea_specs + [
            pl.BlockSpec((DE, H), lambda i: (0, 0)),
            pl.BlockSpec((1, H), lambda i: (0, 0)),
        ],
        out_specs=pl.BlockSpec((BLK, 4 * H), lambda i: (i, 0)),
        out_shape=jax.ShapeDtypeStruct((NE // 4, 4 * H), jnp.float32),
    )(eaT, eaT, eaT, eaT, W1c, b1.reshape(1, H))


def _sc_aggregate(idx_i, idx_j, pa, pb, ew):
    mesh = plsc.VectorSubcoreMesh(
        core_axis_name="c", subcore_axis_name="s", num_cores=NC, num_subcores=NS
    )

    @functools.partial(
        pl.kernel,
        out_type=[
            jax.ShapeDtypeStruct((NC, NP, H), jnp.float32),
            jax.ShapeDtypeStruct((NC, NP), jnp.float32),
        ],
        mesh=mesh,
        compiler_params=pltpu.CompilerParams(use_tc_tiling_on_sc=False),
        scratch_types=[
            pltpu.VMEM((NCH, CH), jnp.int32),
            pltpu.VMEM((NCH, CH), jnp.int32),
            pltpu.VMEM((2, CH, H), jnp.float32),
            pltpu.VMEM((2, CH, H), jnp.float32),
            pltpu.VMEM((2, CH, H), jnp.float32),
            pltpu.VMEM((2, CH, H), jnp.float32),
            pltpu.VMEM((CH,), jnp.float32),
            pltpu.VMEM((ZR, H), jnp.float32),
            pltpu.VMEM((ZR,), jnp.float32),
            pltpu.VMEM_SHARED((NP, H), jnp.float32),
            pltpu.VMEM_SHARED((NP,), jnp.float32),
            [pltpu.SemaphoreType.DMA] * 2,
            [pltpu.SemaphoreType.DMA] * 2,
            [pltpu.SemaphoreType.DMA] * 2,
        ],
    )
    def k(ii_h, jj_h, pa_h, pb_h, ew_h, out_h, cnt_h,
          ii_all, jj_all, pa_v, pb_v, ew_v, h_v, ones_v, z_v, zc_v,
          acc_sh, cnt_sh, sem_pa, sem_pb, sem_ew):
        cid = lax.axis_index("c")
        sid = lax.axis_index("s")
        wid = cid * NS + sid

        zeros16 = jnp.zeros((L,), jnp.float32)
        ones16 = jnp.ones((L,), jnp.float32)

        def zrow(r, _):
            z_v[r, pl.ds(0, L)] = zeros16
            z_v[r, pl.ds(L, L)] = zeros16
            return 0

        lax.fori_loop(0, ZR, zrow, 0)

        def zcrow(r, _):
            zc_v[pl.ds(r * L, L)] = zeros16
            return 0

        lax.fori_loop(0, ZR // L, zcrow, 0)

        def orow(r, _):
            ones_v[pl.ds(r * L, L)] = ones16
            return 0

        lax.fori_loop(0, max(CH // L, 1), orow, 0)

        pltpu.sync_copy(ii_h.at[pl.ds(wid * NCH, NCH)], ii_all)
        pltpu.sync_copy(jj_h.at[pl.ds(wid * NCH, NCH)], jj_all)

        pltpu.sync_copy(z_v, acc_sh.at[pl.ds(sid * ZR, ZR)])
        pltpu.sync_copy(zc_v, cnt_sh.at[pl.ds(sid * ZR, ZR)])
        plsc.subcore_barrier()

        ew_col = (wid // 8) * H
        ew_row0 = (wid % 8) * EPW

        def issue(b, c):
            pltpu.async_copy(pa_h.at[ii_all.at[c]], pa_v.at[b], sem_pa[b])
            pltpu.async_copy(pb_h.at[jj_all.at[c]], pb_v.at[b], sem_pb[b])
            pltpu.async_copy(
                ew_h.at[pl.ds(ew_row0 + c * CH, CH), pl.ds(ew_col, H)],
                ew_v.at[b], sem_ew[b],
            )

        def process(b, c):
            pltpu.make_async_copy(pa_h.at[ii_all.at[c]], pa_v.at[b], sem_pa[b]).wait()
            pltpu.make_async_copy(pb_h.at[jj_all.at[c]], pb_v.at[b], sem_pb[b]).wait()
            pltpu.make_async_copy(
                ew_h.at[pl.ds(ew_row0 + c * CH, CH), pl.ds(ew_col, H)],
                ew_v.at[b], sem_ew[b],
            ).wait()

            @plsc.parallel_loop(0, CH, step=1, unroll=4)
            def _edge(e):
                for hh in range(2):
                    a = pa_v[b, e, pl.ds(hh * L, L)]
                    bb = pb_v[b, e, pl.ds(hh * L, L)]
                    ee = ew_v[b, e, pl.ds(hh * L, L)]
                    h_v[b, e, pl.ds(hh * L, L)] = jnp.maximum(a + bb + ee, 0.0)
            pltpu.sync_copy(h_v.at[b], acc_sh.at[ii_all.at[c]], add=True)
            pltpu.sync_copy(ones_v, cnt_sh.at[ii_all.at[c]], add=True)

        issue(0, 0)

        def pair(c2, _):
            ce = 2 * c2
            issue(1, ce + 1)
            process(0, ce)

            @pl.when(ce + 2 < NCH)
            def _():
                issue(0, ce + 2)

            process(1, ce + 1)
            return 0

        lax.fori_loop(0, NCH // 2, pair, 0)
        plsc.subcore_barrier()
        pltpu.sync_copy(
            acc_sh.at[pl.ds(sid * ZR, ZR)], out_h.at[cid, pl.ds(sid * ZR, ZR)]
        )
        pltpu.sync_copy(
            cnt_sh.at[pl.ds(sid * ZR, ZR)], cnt_h.at[cid, pl.ds(sid * ZR, ZR)]
        )

    return k(idx_i, idx_j, pa, pb, ew)


def _finalize(parts, cnts, W2, b2):
    def body(s_ref, c_ref, w_ref, b_ref, out_ref):
        s = s_ref[0] + s_ref[1]
        c = c_ref[0] + c_ref[1]
        out_ref[...] = (
            jnp.dot(s[:NN], w_ref[...], preferred_element_type=jnp.float32)
            + c[:NN] * b_ref[...]
        )

    return pl.pallas_call(
        body,
        out_shape=jax.ShapeDtypeStruct((NN, H), jnp.float32),
    )(parts, cnts, W2, b2.reshape(1, H))


def kernel(x, edge_index, edge_attr, W1, b1, W2, b2):
    idx_i = edge_index[0].reshape(NE // CH, CH)
    idx_j = edge_index[1].reshape(NE // CH, CH)
    W1a = W1[:DF]
    W1b = W1[DF:2 * DF]
    W1c = W1[2 * DF:]
    pa, pb = _node_proj(x, W1a, W1b)
    ew = _edge_proj(edge_attr, W1c, b1)
    parts, cnts = _sc_aggregate(idx_i, idx_j, pa, pb, ew)
    cnts = cnts.reshape(NC, NP, 1)
    return _finalize(parts, cnts, W2, b2)

# --- scband reference (transcript-rebuilt; emitter-appended) ---
"""Pipeline reference for scband-iql-1752346657379 (READ-ONLY COPY).

The authoritative reference and input builder live on the scoring server;
editing this copy changes nothing except your own understanding.
"""

import jax, jax.numpy as jnp
import numpy as np

N_NODES = 10000
N_EDGES = 320000
D_FEAT = 128
D_EDGE = 16
HIDDEN = 32


def setup_inputs(seed: int = 0) -> dict:
    key = jax.random.key(seed)
    ks = jax.random.split(key, 8)
    x = jax.random.normal(ks[0], (N_NODES, D_FEAT), dtype=jnp.float32)
    edge_index = jax.random.randint(ks[1], (2, N_EDGES), 0, N_NODES, dtype=jnp.int32)
    edge_attr = jax.random.normal(ks[2], (N_EDGES, D_EDGE), dtype=jnp.float32)
    # EdgeConv MLP parameters: Linear(2*node_size+edge_size -> out_channels), ReLU, Linear(out_channels -> out_channels)
    in_dim = 2 * D_FEAT + D_EDGE
    W1 = jax.random.normal(ks[3], (in_dim, HIDDEN), dtype=jnp.float32) * 0.05
    b1 = jnp.zeros((HIDDEN,), dtype=jnp.float32)
    W2 = jax.random.normal(ks[4], (HIDDEN, HIDDEN), dtype=jnp.float32) * 0.05
    b2 = jnp.zeros((HIDDEN,), dtype=jnp.float32)
    return {"x": x, "edge_index": edge_index, "edge_attr": edge_attr, "W1": W1, "b1": b1, "W2": W2, "b2": b2}


def reference(x, edge_index, edge_attr, W1, b1, W2, b2):
    # PyG MessagePassing(aggr='add', flow='target_to_source'):
    # x_i = x[edge_index[0]], x_j = x[edge_index[1]]; aggregation index = edge_index[0]
    idx_i = edge_index[0]
    idx_j = edge_index[1]
    x_i = jnp.take(x, idx_i, axis=0)
    x_j = jnp.take(x, idx_j, axis=0)
    tmp = jnp.concatenate([x_i, x_j, edge_attr], axis=1)
    h = jnp.maximum(tmp @ W1 + b1, 0.0)
    msg = h @ W2 + b2
    out = jax.ops.segment_sum(msg, idx_i, num_segments=x.shape[0])
    return out

if __name__ == "__main__":
    import jax
    _d = setup_inputs()
    print(jax.jit(kernel)(*tuple(_d.values())))

</pallas_src>

<mosaic_0001>
#map = affine_map<(d0, d1) -> (0, 0)>
#map1 = affine_map<(d0, d1) -> (0, 0, 0)>
module attributes {stable_mosaic.version = 14 : i64} {
  func.func @k(%arg0: i32, %arg1: i32, %arg2: memref<8000x40xi32, #tpu.memory_space<hbm>>, %arg3: memref<8000x40xi32, #tpu.memory_space<hbm>>, %arg4: memref<10000x32xf32, #tpu.memory_space<hbm>>, %arg5: memref<10000x32xf32, #tpu.memory_space<hbm>>, %arg6: memref<80000x128xf32, #tpu.memory_space<hbm>>, %arg7: memref<2x10240x32xf32, #tpu.memory_space<hbm>>, %arg8: memref<2x10240xf32, #tpu.memory_space<hbm>>, %arg9: memref<250x40xi32, #tpu.memory_space<vmem>>, %arg10: memref<250x40xi32, #tpu.memory_space<vmem>>, %arg11: memref<2x40x32xf32, #tpu.memory_space<vmem>>, %arg12: memref<2x40x32xf32, #tpu.memory_space<vmem>>, %arg13: memref<2x40x32xf32, #tpu.memory_space<vmem>>, %arg14: memref<2x40x32xf32, #tpu.memory_space<vmem>>, %arg15: memref<40xf32, #tpu.memory_space<vmem>>, %arg16: memref<640x32xf32, #tpu.memory_space<vmem>>, %arg17: memref<640xf32, #tpu.memory_space<vmem>>, %arg18: memref<10240x32xf32, #tpu.memory_space<vmem_shared>>, %arg19: memref<10240xf32, #tpu.memory_space<vmem_shared>>, %arg20: memref<!tpu.dma_semaphore, #tpu.memory_space<semaphore_mem>>, %arg21: memref<!tpu.dma_semaphore, #tpu.memory_space<semaphore_mem>>, %arg22: memref<!tpu.dma_semaphore, #tpu.memory_space<semaphore_mem>>, %arg23: memref<!tpu.dma_semaphore, #tpu.memory_space<semaphore_mem>>, %arg24: memref<!tpu.dma_semaphore, #tpu.memory_space<semaphore_mem>>, %arg25: memref<!tpu.dma_semaphore, #tpu.memory_space<semaphore_mem>>) attributes {dimension_semantics = [#tpu.dimension_semantics<core_parallel>, #tpu.dimension_semantics<subcore_parallel>], iteration_bounds = array<i64: 2, 16>, scalar_prefetch = 0 : i64, scratch_operands = 17 : i64, tpu.core_type = #tpu.core_type<sc_vector_subcore>, window_params = [{transform_indices = #map}, {transform_indices = #map}, {transform_indices = #map}, {transform_indices = #map}, {transform_indices = #map}, {transform_indices = #map1}, {transform_indices = #map}]} {
    %mul3A = arith.constant 16 : i32
    %mul3A_0 = arith.muli %arg0, %mul3A : i32
    %add3A = arith.addi %mul3A_0, %arg1 : i32
    %broadcast_in_dim3A = arith.constant 0.000000e+00 : f32
    %broadcast_in_dim3A_1 = vector.broadcast %broadcast_in_dim3A : f32 to vector<16xf32>
    %broadcast_in_dim3A_2 = arith.constant 1.000000e+00 : f32
    %broadcast_in_dim3A_3 = vector.broadcast %broadcast_in_dim3A_2 : f32 to vector<16xf32>
    %scan3A = arith.constant 0 : i32
    %scan3A_4 = arith.constant 0 : i32
    %scan3A_5 = arith.constant 640 : i32
    %scan3A_6 = arith.addi %scan3A_4, %scan3A_5 : i32
    %scan3A_7 = arith.constant 1 : i32
    %scan3A_8 = scf.for %scan3A_118 = %scan3A_4 to %scan3A_6 step %scan3A_7 iter_args(%scan3A_119 = %scan3A) -> (i32)  : i32 {
      %swap3A = arith.index_cast %scan3A_118 : i32 to index
      %swap3A_120 = arith.constant 0 : index
      %swap3A_121 = tpu.vector_load %arg16[%swap3A, %swap3A_120] {strides = array<i32>} : memref<640x32xf32, #tpu.memory_space<vmem>>, vector<1x16xf32>,
      %swap3A_122 = vector.shape_cast %swap3A_121 : vector<1x16xf32> to vector<16xf32>
      %swap3A_123 = vector.shape_cast %broadcast_in_dim3A_1 : vector<16xf32> to vector<1x16xf32>
      tpu.vector_store %arg16[%swap3A, %swap3A_120], %swap3A_123 {strides = array<i32>} : memref<640x32xf32, #tpu.memory_space<vmem>>, vector<1x16xf32>,
      %swap3A_124 = arith.index_cast %scan3A_118 : i32 to index
      %swap3A_125 = arith.constant 16 : index
      %swap3A_126 = tpu.vector_load %arg16[%swap3A_124, %swap3A_125] {strides = array<i32>} : memref<640x32xf32, #tpu.memory_space<vmem>>, vector<1x16xf32>,
      %swap3A_127 = vector.shape_cast %swap3A_126 : vector<1x16xf32> to vector<16xf32>
      %swap3A_128 = vector.shape_cast %broadcast_in_dim3A_1 : vector<16xf32> to vector<1x16xf32>
      tpu.vector_store %arg16[%swap3A_124, %swap3A_125], %swap3A_128 {strides = array<i32>} : memref<640x32xf32, #tpu.memory_space<vmem>>, vector<1x16xf32>,
      %scan3A_129 = arith.constant 0 : i32
      scf.yield %scan3A_129 : i32
    }
    %scan3A_9 = arith.constant 640 : i32
    %scan3A_10 = arith.constant 0 : i32
    %scan3A_11 = arith.constant 0 : i32
    %scan3A_12 = arith.constant 40 : i32
    %scan3A_13 = arith.addi %scan3A_11, %scan3A_12 : i32
    %scan3A_14 = arith.constant 1 : i32
    %scan3A_15 = scf.for %scan3A_118 = %scan3A_11 to %scan3A_13 step %scan3A_14 iter_args(%scan3A_119 = %scan3A_10) -> (i32)  : i32 {
      %mul3A_120 = arith.constant 16 : i32
      %mul3A_121 = arith.muli %scan3A_118, %mul3A_120 : i32
      %swap3A = arith.index_cast %mul3A_121 : i32 to index
      %swap3A_122 = tpu.vector_load %arg17[%swap3A] {strides = array<i32>} : memref<640xf32, #tpu.memory_space<vmem>>, vector<16xf32>,
      %swap3A_123 = vector.shape_cast %swap3A_122 : vector<16xf32> to vector<16xf32>
      %swap3A_124 = vector.shape_cast %broadcast_in_dim3A_1 : vector<16xf32> to vector<16xf32>
      tpu.vector_store %arg17[%swap3A], %swap3A_124 {strides = array<i32>} : memref<640xf32, #tpu.memory_space<vmem>>, vector<16xf32>,
      %scan3A_125 = arith.constant 0 : i32
      scf.yield %scan3A_125 : i32
    }
    %scan3A_16 = arith.constant 40 : i32
    %scan3A_17 = arith.constant 0 : i32
    %scan3A_18 = arith.constant 0 : i32
    %scan3A_19 = arith.constant 2 : i32
    %scan3A_20 = arith.addi %scan3A_18, %scan3A_19 : i32
    %scan3A_21 = arith.constant 1 : i32
    %scan3A_22 = scf.for %scan3A_118 = %scan3A_18 to %scan3A_20 step %scan3A_21 iter_args(%scan3A_119 = %scan3A_17) -> (i32)  : i32 {
      %mul3A_120 = arith.constant 16 : i32
      %mul3A_121 = arith.muli %scan3A_118, %mul3A_120 : i32
      %swap3A = arith.index_cast %mul3A_121 : i32 to index
      %swap3A_122 = tpu.vector_load %arg15[%swap3A] {strides = array<i32>} : memref<40xf32, #tpu.memory_space<vmem>>, vector<16xf32>,
      %swap3A_123 = vector.shape_cast %swap3A_122 : vector<16xf32> to vector<16xf32>
      %swap3A_124 = vector.shape_cast %broadcast_in_dim3A_3 : vector<16xf32> to vector<16xf32>
      tpu.vector_store %arg15[%swap3A], %swap3A_124 {strides = array<i32>} : memref<40xf32, #tpu.memory_space<vmem>>, vector<16xf32>,
      %scan3A_125 = arith.constant 0 : i32
      scf.yield %scan3A_125 : i32
    }
    %scan3A_23 = arith.constant 2 : i32
    %mul3A_24 = arith.constant 250 : i32
    %mul3A_25 = arith.muli %add3A, %mul3A_24 : i32
    "tpu.region"() ({
      %run_scoped3A = tpu.sem_alloc : memref<!tpu.dma_semaphore, #tpu.memory_space<semaphore_mem>>
      %dma_start3A_118 = arith.constant 0 : i32
      %dma_start3A_119 = tpu.memref_slice %arg2[%mul3A_25, %dma_start3A_118] : memref<8000x40xi32, #tpu.memory_space<hbm>> -> memref<250x40xi32, #tpu.memory_space<hbm>>
      %dma_start3A_120 = arith.constant 0 : i32
      %dma_start3A_121 = tpu.memref_slice %arg2[%mul3A_25, %dma_start3A_120] : memref<8000x40xi32, #tpu.memory_space<hbm>> -> memref<250x40xi32, #tpu.memory_space<hbm>>
      tpu.enqueue_dma source(%dma_start3A_121 : memref<250x40xi32, #tpu.memory_space<hbm>>) target(%arg9 : memref<250x40xi32, #tpu.memory_space<vmem>>) target_semaphore(%run_scoped3A : memref<!tpu.dma_semaphore, #tpu.memory_space<semaphore_mem>>)
      %dma_wait3A = arith.constant 0 : i32
      %dma_wait3A_122 = tpu.memref_slice %arg2[%mul3A_25, %dma_wait3A] : memref<8000x40xi32, #tpu.memory_space<hbm>> -> memref<250x40xi32, #tpu.memory_space<hbm>>
      %dma_wait3A_123 = arith.constant 0 : i32
      %dma_wait3A_124 = tpu.memref_slice %arg2[%mul3A_25, %dma_wait3A_123] : memref<8000x40xi32, #tpu.memory_space<hbm>> -> memref<250x40xi32, #tpu.memory_space<hbm>>
      tpu.wait_dma2 semaphore(%run_scoped3A : memref<!tpu.dma_semaphore, #tpu.memory_space<semaphore_mem>>) src(%dma_wait3A_124 : memref<250x40xi32, #tpu.memory_space<hbm>>) dst(%arg9 : memref<250x40xi32, #tpu.memory_space<vmem>>)
      tpu.yield
    }) : () -> ()
    %mul3A_26 = arith.constant 250 : i32
    %mul3A_27 = arith.muli %add3A, %mul3A_26 : i32
    "tpu.region"() ({
      %run_scoped3A = tpu.sem_alloc : memref<!tpu.dma_semaphore, #tpu.memory_space<semaphore_mem>>
      %dma_start3A_118 = arith.constant 0 : i32
      %dma_start3A_119 = tpu.memref_slice %arg3[%mul3A_27, %dma_start3A_118] : memref<8000x40xi32, #tpu.memory_space<hbm>> -> memref<250x40xi32, #tpu.memory_space<hbm>>
      %dma_start3A_120 = arith.constant 0 : i32
      %dma_start3A_121 = tpu.memref_slice %arg3[%mul3A_27, %dma_start3A_120] : memref<8000x40xi32, #tpu.memory_space<hbm>> -> memref<250x40xi32, #tpu.memory_space<hbm>>
      tpu.enqueue_dma source(%dma_start3A_121 : memref<250x40xi32, #tpu.memory_space<hbm>>) target(%arg10 : memref<250x40xi32, #tpu.memory_space<vmem>>) target_semaphore(%run_scoped3A : memref<!tpu.dma_semaphore, #tpu.memory_space<semaphore_mem>>)
      %dma_wait3A = arith.constant 0 : i32
      %dma_wait3A_122 = tpu.memref_slice %arg3[%mul3A_27, %dma_wait3A] : memref<8000x40xi32, #tpu.memory_space<hbm>> -> memref<250x40xi32, #tpu.memory_space<hbm>>
      %dma_wait3A_123 = arith.constant 0 : i32
      %dma_wait3A_124 = tpu.memref_slice %arg3[%mul3A_27, %dma_wait3A_123] : memref<8000x40xi32, #tpu.memory_space<hbm>> -> memref<250x40xi32, #tpu.memory_space<hbm>>
      tpu.wait_dma2 semaphore(%run_scoped3A : memref<!tpu.dma_semaphore, #tpu.memory_space<semaphore_mem>>) src(%dma_wait3A_124 : memref<250x40xi32, #tpu.memory_space<hbm>>) dst(%arg10 : memref<250x40xi32, #tpu.memory_space<vmem>>)
      tpu.yield
    }) : () -> ()
    %mul3A_28 = arith.constant 640 : i32
    %mul3A_29 = arith.muli %arg1, %mul3A_28 : i32
    "tpu.region"() ({
      %run_scoped3A = tpu.sem_alloc : memref<!tpu.dma_semaphore, #tpu.memory_space<semaphore_mem>>
      %dma_start3A_118 = arith.constant 0 : i32
      %dma_start3A_119 = tpu.memref_slice %arg18[%mul3A_29, %dma_start3A_118] : memref<10240x32xf32, #tpu.memory_space<vmem_shared>> -> memref<640x32xf32, #tpu.memory_space<vmem_shared>>
      %dma_start3A_120 = arith.constant 0 : i32
      %dma_start3A_121 = tpu.memref_slice %arg18[%mul3A_29, %dma_start3A_120] : memref<10240x32xf32, #tpu.memory_space<vmem_shared>> -> memref<640x32xf32, #tpu.memory_space<vmem_shared>>
      tpu.enqueue_dma source(%arg16 : memref<640x32xf32, #tpu.memory_space<vmem>>) target(%dma_start3A_121 : memref<640x32xf32, #tpu.memory_space<vmem_shared>>) target_semaphore(%run_scoped3A : memref<!tpu.dma_semaphore, #tpu.memory_space<semaphore_mem>>)
      %dma_wait3A = arith.constant 0 : i32
      %dma_wait3A_122 = tpu.memref_slice %arg18[%mul3A_29, %dma_wait3A] : memref<10240x32xf32, #tpu.memory_space<vmem_shared>> -> memref<640x32xf32, #tpu.memory_space<vmem_shared>>
      %dma_wait3A_123 = arith.constant 0 : i32
      %dma_wait3A_124 = tpu.memref_slice %arg18[%mul3A_29, %dma_wait3A_123] : memref<10240x32xf32, #tpu.memory_space<vmem_shared>> -> memref<640x32xf32, #tpu.memory_space<vmem_shared>>
      tpu.wait_dma2 semaphore(%run_scoped3A : memref<!tpu.dma_semaphore, #tpu.memory_space<semaphore_mem>>) src(%arg16 : memref<640x32xf32, #tpu.memory_space<vmem>>) dst(%dma_wait3A_124 : memref<640x32xf32, #tpu.memory_space<vmem_shared>>)
      tpu.yield
    }) : () -> ()
    %mul3A_30 = arith.constant 640 : i32
    %mul3A_31 = arith.muli %arg1, %mul3A_30 : i32
    "tpu.region"() ({
      %run_scoped3A = tpu.sem_alloc : memref<!tpu.dma_semaphore, #tpu.memory_space<semaphore_mem>>
      %dma_start3A_118 = tpu.memref_slice %arg19[%mul3A_31] : memref<10240xf32, #tpu.memory_space<vmem_shared>> -> memref<640xf32, #tpu.memory_space<vmem_shared>>
      %dma_start3A_119 = tpu.memref_slice %arg19[%mul3A_31] : memref<10240xf32, #tpu.memory_space<vmem_shared>> -> memref<640xf32, #tpu.memory_space<vmem_shared>>
      tpu.enqueue_dma source(%arg17 : memref<640xf32, #tpu.memory_space<vmem>>) target(%dma_start3A_119 : memref<640xf32, #tpu.memory_space<vmem_shared>>) target_semaphore(%run_scoped3A : memref<!tpu.dma_semaphore, #tpu.memory_space<semaphore_mem>>)
      %dma_wait3A = tpu.memref_slice %arg19[%mul3A_31] : memref<10240xf32, #tpu.memory_space<vmem_shared>> -> memref<640xf32, #tpu.memory_space<vmem_shared>>
      %dma_wait3A_120 = tpu.memref_slice %arg19[%mul3A_31] : memref<10240xf32, #tpu.memory_space<vmem_shared>> -> memref<640xf32, #tpu.memory_space<vmem_shared>>
      tpu.wait_dma2 semaphore(%run_scoped3A : memref<!tpu.dma_semaphore, #tpu.memory_space<semaphore_mem>>) src(%arg17 : memref<640xf32, #tpu.memory_space<vmem>>) dst(%dma_wait3A_120 : memref<640xf32, #tpu.memory_space<vmem_shared>>)
      tpu.yield
    }) : () -> ()
    %barrier3A = arith.constant 0 : index
    tpu.barrier barrier_id(%barrier3A)
    %jit3A = arith.constant 8 : i32
    %div3A = arith.divsi %add3A, %jit3A : i32
    %sign3A = arith.constant 0 : i32
    %sign3A_32 = arith.cmpi sgt, %add3A, %sign3A : i32
    %sign3A_33 = arith.extui %sign3A_32 : i1 to i32
    %sign3A_34 = arith.constant 0 : i32
    %sign3A_35 = arith.cmpi slt, %add3A, %sign3A_34 : i32
    %sign3A_36 = arith.extui %sign3A_35 : i1 to i32
    %sign3A_37 = arith.subi %sign3A_33, %sign3A_36 : i32
    %sign3A_38 = arith.constant 0 : i32
    %sign3A_39 = arith.cmpi sgt, %jit3A, %sign3A_38 : i32
    %sign3A_40 = arith.extui %sign3A_39 : i1 to i32
    %sign3A_41 = arith.constant 0 : i32
    %sign3A_42 = arith.cmpi slt, %jit3A, %sign3A_41 : i32
    %sign3A_43 = arith.extui %sign3A_42 : i1 to i32
    %sign3A_44 = arith.subi %sign3A_40, %sign3A_43 : i32
    %ne3A = arith.cmpi ne, %sign3A_37, %sign3A_44 : i32
    %rem3A = arith.remsi %add3A, %jit3A : i32
    %ne3A_45 = arith.constant 0 : i32
    %ne3A_46 = arith.cmpi ne, %rem3A, %ne3A_45 : i32
    %and3A = arith.andi %ne3A, %ne3A_46 : i1
    %sub3A = arith.constant 1 : i32
    %sub3A_47 = arith.subi %div3A, %sub3A : i32
    %select_n3A = arith.select %and3A, %sub3A_47, %div3A : i32
    %mul3A_48 = arith.constant 32 : i32
    %mul3A_49 = arith.muli %select_n3A, %mul3A_48 : i32
    %jit3A_50 = arith.constant 8 : i32
    %eq3A = arith.constant 0 : i32
    %eq3A_51 = arith.cmpi eq, %jit3A_50, %eq3A : i32
    %jit3A_52 = arith.constant 1 : i32
    %select_n3A_53 = arith.select %eq3A_51, %jit3A_52, %jit3A_50 : i32
    %rem3A_54 = arith.remsi %add3A, %select_n3A_53 : i32
    %ne3A_55 = arith.constant 0 : i32
    %ne3A_56 = arith.cmpi ne, %rem3A_54, %ne3A_55 : i32
    %lt3A = arith.constant 0 : i32
    %lt3A_57 = arith.cmpi slt, %rem3A_54, %lt3A : i32
    %lt3A_58 = arith.constant 0 : i32
    %lt3A_59 = arith.cmpi slt, %select_n3A_53, %lt3A_58 : i32
    %ne3A_60 = arith.xori %lt3A_57, %lt3A_59 : i1
    %and3A_61 = arith.andi %ne3A_60, %ne3A_56 : i1
    %add3A_62 = arith.addi %rem3A_54, %select_n3A_53 : i32
    %select_n3A_63 = arith.select %and3A_61, %add3A_62, %rem3A_54 : i32
    %mul3A_64 = arith.constant 10000 : i32
    %mul3A_65 = arith.muli %select_n3A_63, %mul3A_64 : i32
    %dma_start3A = arith.constant 0 : i32
    %dma_start3A_66 = arith.constant 0 : i32
    %dma_start3A_67 = arith.constant 0 : i32
    %dma_start3A_68 = arith.constant 0 : i32
    %dma_start3A_69 = tpu.memref_slice %arg11[%dma_start3A_66, %dma_start3A_67, %dma_start3A_68] : memref<2x40x32xf32, #tpu.memory_space<vmem>> -> memref<1x40x32xf32, #tpu.memory_space<vmem>>
    %dma_start3A_70 = tpu.memref_squeeze %dma_start3A_69 : memref<1x40x32xf32, #tpu.memory_space<vmem>> -> memref<40x32xf32, #tpu.memory_space<vmem>>
    %dma_start3A_71 = arith.constant 0 : i32
    %dma_start3A_72 = tpu.memref_slice %arg9[%dma_start3A, %dma_start3A_71] : memref<250x40xi32, #tpu.memory_space<vmem>> -> memref<1x40xi32, #tpu.memory_space<vmem>>
    %dma_start3A_73 = tpu.memref_squeeze %dma_start3A_72 : memref<1x40xi32, #tpu.memory_space<vmem>> -> memref<40xi32, #tpu.memory_space<vmem>>
    %dma_start3A_74 = arith.constant 0 : i32
    %dma_start3A_75 = arith.constant 0 : i32
    %dma_start3A_76 = tpu.memref_slice %arg4[%dma_start3A_74, %dma_start3A_75] : memref<10000x32xf32, #tpu.memory_space<hbm>> -> memref<10000x32xf32, #tpu.memory_space<hbm>>
    tpu.enqueue_indirect_dma source(%dma_start3A_76 : memref<10000x32xf32, #tpu.memory_space<hbm>>) target(%dma_start3A_70 : memref<40x32xf32, #tpu.memory_space<vmem>>) offsets(%dma_start3A_73 : memref<40xi32, #tpu.memory_space<vmem>>) semaphore(%arg20 : memref<!tpu.dma_semaphore, #tpu.memory_space<semaphore_mem>>)
    %dma_start3A_77 = arith.constant 0 : i32
    %dma_start3A_78 = arith.constant 0 : i32
    %dma_start3A_79 = arith.constant 0 : i32
    %dma_start3A_80 = arith.constant 0 : i32
    %dma_start3A_81 = tpu.memref_slice %arg12[%dma_start3A_78, %dma_start3A_79, %dma_start3A_80] : memref<2x40x32xf32, #tpu.memory_space<vmem>> -> memref<1x40x32xf32, #tpu.memory_space<vmem>>
    %dma_start3A_82 = tpu.memref_squeeze %dma_start3A_81 : memref<1x40x32xf32, #tpu.memory_space<vmem>> -> memref<40x32xf32, #tpu.memory_space<vmem>>
    %dma_start3A_83 = arith.constant 0 : i32
    %dma_start3A_84 = tpu.memref_slice %arg10[%dma_start3A_77, %dma_start3A_83] : memref<250x40xi32, #tpu.memory_space<vmem>> -> memref<1x40xi32, #tpu.memory_space<vmem>>
    %dma_start3A_85 = tpu.memref_squeeze %dma_start3A_84 : memref<1x40xi32, #tpu.memory_space<vmem>> -> memref<40xi32, #tpu.memory_space<vmem>>
    %dma_start3A_86 = arith.constant 0 : i32
    %dma_start3A_87 = arith.constant 0 : i32
    %dma_start3A_88 = tpu.memref_slice %arg5[%dma_start3A_86, %dma_start3A_87] : memref<10000x32xf32, #tpu.memory_space<hbm>> -> memref<10000x32xf32, #tpu.memory_space<hbm>>
    tpu.enqueue_indirect_dma source(%dma_start3A_88 : memref<10000x32xf32, #tpu.memory_space<hbm>>) target(%dma_start3A_82 : memref<40x32xf32, #tpu.memory_space<vmem>>) offsets(%dma_start3A_85 : memref<40xi32, #tpu.memory_space<vmem>>) semaphore(%arg22 : memref<!tpu.dma_semaphore, #tpu.memory_space<semaphore_mem>>)
    %add3A_89 = arith.constant 0 : i32
    %add3A_90 = arith.addi %mul3A_65, %add3A_89 : i32
    %dma_start3A_91 = arith.constant 0 : i32
    %dma_start3A_92 = arith.constant 0 : i32
    %dma_start3A_93 = arith.constant 0 : i32
    %dma_start3A_94 = tpu.memref_slice %arg13[%dma_start3A_91, %dma_start3A_92, %dma_start3A_93] : memref<2x40x32xf32, #tpu.memory_space<vmem>> -> memref<1x40x32xf32, #tpu.memory_space<vmem>>
    %dma_start3A_95 = tpu.memref_squeeze %dma_start3A_94 : memref<1x40x32xf32, #tpu.memory_space<vmem>> -> memref<40x32xf32, #tpu.memory_space<vmem>>
    %dma_start3A_96 = tpu.memref_slice %arg6[%add3A_90, %mul3A_49] : memref<80000x128xf32, #tpu.memory_space<hbm>> -> memref<40x32xf32, #tpu.memory_space<hbm>>
    %dma_start3A_97 = arith.constant 0 : i32
    %dma_start3A_98 = arith.constant 0 : i32
    %dma_start3A_99 = tpu.memref_slice %arg13[%dma_start3A_91, %dma_start3A_97, %dma_start3A_98] : memref<2x40x32xf32, #tpu.memory_space<vmem>> -> memref<1x40x32xf32, #tpu.memory_space<vmem>>
    %dma_start3A_100 = tpu.memref_squeeze %dma_start3A_99 : memref<1x40x32xf32, #tpu.memory_space<vmem>> -> memref<40x32xf32, #tpu.memory_space<vmem>>
    %dma_start3A_101 = tpu.memref_slice %arg6[%add3A_90, %mul3A_49] : memref<80000x128xf32, #tpu.memory_space<hbm>> -> memref<40x32xf32, #tpu.memory_space<hbm>>
    tpu.enqueue_dma source(%dma_start3A_101 : memref<40x32xf32, #tpu.memory_space<hbm>>) target(%dma_start3A_100 : memref<40x32xf32, #tpu.memory_space<vmem>>) target_semaphore(%arg24 : memref<!tpu.dma_semaphore, #tpu.memory_space<semaphore_mem>>)
    %scan3A_102 = arith.constant 0 : i32
    %scan3A_103 = arith.constant 0 : i32
    %scan3A_104 = arith.constant 125 : i32
    %scan3A_105 = arith.addi %scan3A_103, %scan3A_104 : i32
    %scan3A_106 = arith.constant 1 : i32
    %scan3A_107 = scf.for %scan3A_118 = %scan3A_103 to %scan3A_105 step %scan3A_106 iter_args(%scan3A_119 = %scan3A_102) -> (i32)  : i32 {
      %mul3A_120 = arith.constant 2 : i32
      %mul3A_121 = arith.muli %mul3A_120, %scan3A_118 : i32
      %add3A_122 = arith.constant 1 : i32
      %add3A_123 = arith.addi %mul3A_121, %add3A_122 : i32
      %dma_start3A_124 = arith.constant 1 : i32
      %dma_start3A_125 = arith.constant 0 : i32
      %dma_start3A_126 = arith.constant 0 : i32
      %dma_start3A_127 = tpu.memref_slice %arg11[%dma_start3A_124, %dma_start3A_125, %dma_start3A_126] : memref<2x40x32xf32, #tpu.memory_space<vmem>> -> memref<1x40x32xf32, #tpu.memory_space<vmem>>
      %dma_start3A_128 = tpu.memref_squeeze %dma_start3A_127 : memref<1x40x32xf32, #tpu.memory_space<vmem>> -> memref<40x32xf32, #tpu.memory_space<vmem>>
      %dma_start3A_129 = arith.constant 0 : i32
      %dma_start3A_130 = tpu.memref_slice %arg9[%add3A_123, %dma_start3A_129] : memref<250x40xi32, #tpu.memory_space<vmem>> -> memref<1x40xi32, #tpu.memory_space<vmem>>
      %dma_start3A_131 = tpu.memref_squeeze %dma_start3A_130 : memref<1x40xi32, #tpu.memory_space<vmem>> -> memref<40xi32, #tpu.memory_space<vmem>>
      %dma_start3A_132 = arith.constant 0 : i32
      %dma_start3A_133 = arith.constant 0 : i32
      %dma_start3A_134 = tpu.memref_slice %arg4[%dma_start3A_132, %dma_start3A_133] : memref<10000x32xf32, #tpu.memory_space<hbm>> -> memref<10000x32xf32, #tpu.memory_space<hbm>>
      tpu.enqueue_indirect_dma source(%dma_start3A_134 : memref<10000x32xf32, #tpu.memory_space<hbm>>) target(%dma_start3A_128 : memref<40x32xf32, #tpu.memory_space<vmem>>) offsets(%dma_start3A_131 : memref<40xi32, #tpu.memory_space<vmem>>) semaphore(%arg21 : memref<!tpu.dma_semaphore, #tpu.memory_space<semaphore_mem>>)
      %dma_start3A_135 = arith.constant 1 : i32
      %dma_start3A_136 = arith.constant 0 : i32
      %dma_start3A_137 = arith.constant 0 : i32
      %dma_start3A_138 = tpu.memref_slice %arg12[%dma_start3A_135, %dma_start3A_136, %dma_start3A_137] : memref<2x40x32xf32, #tpu.memory_space<vmem>> -> memref<1x40x32xf32, #tpu.memory_space<vmem>>
      %dma_start3A_139 = tpu.memref_squeeze %dma_start3A_138 : memref<1x40x32xf32, #tpu.memory_space<vmem>> -> memref<40x32xf32, #tpu.memory_space<vmem>>
      %dma_start3A_140 = arith.constant 0 : i32
      %dma_start3A_141 = tpu.memref_slice %arg10[%add3A_123, %dma_start3A_140] : memref<250x40xi32, #tpu.memory_space<vmem>> -> memref<1x40xi32, #tpu.memory_space<vmem>>
      %dma_start3A_142 = tpu.memref_squeeze %dma_start3A_141 : memref<1x40xi32, #tpu.memory_space<vmem>> -> memref<40xi32, #tpu.memory_space<vmem>>
      %dma_start3A_143 = arith.constant 0 : i32
      %dma_start3A_144 = arith.constant 0 : i32
      %dma_start3A_145 = tpu.memref_slice %arg5[%dma_start3A_143, %dma_start3A_144] : memref<10000x32xf32, #tpu.memory_space<hbm>> -> memref<10000x32xf32, #tpu.memory_space<hbm>>
      tpu.enqueue_indirect_dma source(%dma_start3A_145 : memref<10000x32xf32, #tpu.memory_space<hbm>>) target(%dma_start3A_139 : memref<40x32xf32, #tpu.memory_space<vmem>>) offsets(%dma_start3A_142 : memref<40xi32, #tpu.memory_space<vmem>>) semaphore(%arg23 : memref<!tpu.dma_semaphore, #tpu.memory_space<semaphore_mem>>)
      %mul3A_146 = arith.constant 40 : i32
      %mul3A_147 = arith.muli %add3A_123, %mul3A_146 : i32
      %add3A_148 = arith.addi %mul3A_65, %mul3A_147 : i32
      %dma_start3A_149 = arith.constant 1 : i32
      %dma_start3A_150 = arith.constant 0 : i32
      %dma_start3A_151 = arith.constant 0 : i32
      %dma_start3A_152 = tpu.memref_slice %arg13[%dma_start3A_149, %dma_start3A_150, %dma_start3A_151] : memref<2x40x32xf32, #tpu.memory_space<vmem>> -> memref<1x40x32xf32, #tpu.memory_space<vmem>>
      %dma_start3A_153 = tpu.memref_squeeze %dma_start3A_152 : memref<1x40x32xf32, #tpu.memory_space<vmem>> -> memref<40x32xf32, #tpu.memory_space<vmem>>
      %dma_start3A_154 = tpu.memref_slice %arg6[%add3A_148, %mul3A_49] : memref<80000x128xf32, #tpu.memory_space<hbm>> -> memref<40x32xf32, #tpu.memory_space<hbm>>
      %dma_start3A_155 = arith.constant 0 : i32
      %dma_start3A_156 = arith.constant 0 : i32
      %dma_start3A_157 = tpu.memref_slice %arg13[%dma_start3A_149, %dma_start3A_155, %dma_start3A_156] : memref<2x40x32xf32, #tpu.memory_space<vmem>> -> memref<1x40x32xf32, #tpu.memory_space<vmem>>
      %dma_start3A_158 = tpu.memref_squeeze %dma_start3A_157 : memref<1x40x32xf32, #tpu.memory_space<vmem>> -> memref<40x32xf32, #tpu.memory_space<vmem>>
      %dma_start3A_159 = tpu.memref_slice %arg6[%add3A_148, %mul3A_49] : memref<80000x128xf32, #tpu.memory_space<hbm>> -> memref<40x32xf32, #tpu.memory_space<hbm>>
      tpu.enqueue_dma source(%dma_start3A_159 : memref<40x32xf32, #tpu.memory_space<hbm>>) target(%dma_start3A_158 : memref<40x32xf32, #tpu.memory_space<vmem>>) target_semaphore(%arg25 : memref<!tpu.dma_semaphore, #tpu.memory_space<semaphore_mem>>)
      %dma_wait3A = arith.constant 0 : i32
      %dma_wait3A_160 = arith.constant 0 : i32
      %dma_wait3A_161 = arith.constant 0 : i32
      %dma_wait3A_162 = tpu.memref_slice %arg11[%dma_wait3A, %dma_wait3A_160, %dma_wait3A_161] : memref<2x40x32xf32, #tpu.memory_space<vmem>> -> memref<1x40x32xf32, #tpu.memory_space<vmem>>
      %dma_wait3A_163 = tpu.memref_squeeze %dma_wait3A_162 : memref<1x40x32xf32, #tpu.memory_space<vmem>> -> memref<40x32xf32, #tpu.memory_space<vmem>>
      %dma_wait3A_164 = arith.constant 0 : i32
      %dma_wait3A_165 = tpu.memref_slice %arg9[%mul3A_121, %dma_wait3A_164] : memref<250x40xi32, #tpu.memory_space<vmem>> -> memref<1x40xi32, #tpu.memory_space<vmem>>
      %dma_wait3A_166 = tpu.memref_squeeze %dma_wait3A_165 : memref<1x40xi32, #tpu.memory_space<vmem>> -> memref<40xi32, #tpu.memory_space<vmem>>
      %dma_wait3A_167 = arith.constant 0 : i32
      %dma_wait3A_168 = arith.constant 0 : i32
      %dma_wait3A_169 = tpu.memref_slice %arg4[%dma_wait3A_167, %dma_wait3A_168] : memref<10000x32xf32, #tpu.memory_space<hbm>> -> memref<10000x32xf32, #tpu.memory_space<hbm>>
      tpu.wait_indirect_dma semaphore(%arg20 : memref<!tpu.dma_semaphore, #tpu.memory_space<semaphore_mem>>) src(%dma_wait3A_169 : memref<10000x32xf32, #tpu.memory_space<hbm>>) dst(%dma_wait3A_163 : memref<40x32xf32, #tpu.memory_space<vmem>>)
      %dma_wait3A_170 = arith.constant 0 : i32
      %dma_wait3A_171 = arith.constant 0 : i32
      %dma_wait3A_172 = arith.constant 0 : i32
      %dma_wait3A_173 = tpu.memref_slice %arg12[%dma_wait3A_170, %dma_wait3A_171, %dma_wait3A_172] : memref<2x40x32xf32, #tpu.memory_space<vmem>> -> memref<1x40x32xf32, #tpu.memory_space<vmem>>
      %dma_wait3A_174 = tpu.memref_squeeze %dma_wait3A_173 : memref<1x40x32xf32, #tpu.memory_space<vmem>> -> memref<40x32xf32, #tpu.memory_space<vmem>>
      %dma_wait3A_175 = arith.constant 0 : i32
      %dma_wait3A_176 = tpu.memref_slice %arg10[%mul3A_121, %dma_wait3A_175] : memref<250x40xi32, #tpu.memory_space<vmem>> -> memref<1x40xi32, #tpu.memory_space<vmem>>
      %dma_wait3A_177 = tpu.memref_squeeze %dma_wait3A_176 : memref<1x40xi32, #tpu.memory_space<vmem>> -> memref<40xi32, #tpu.memory_space<vmem>>
      %dma_wait3A_178 = arith.constant 0 : i32
      %dma_wait3A_179 = arith.constant 0 : i32
      %dma_wait3A_180 = tpu.memref_slice %arg5[%dma_wait3A_178, %dma_wait3A_179] : memref<10000x32xf32, #tpu.memory_space<hbm>> -> memref<10000x32xf32, #tpu.memory_space<hbm>>
      tpu.wait_indirect_dma semaphore(%arg22 : memref<!tpu.dma_semaphore, #tpu.memory_space<semaphore_mem>>) src(%dma_wait3A_180 : memref<10000x32xf32, #tpu.memory_space<hbm>>) dst(%dma_wait3A_174 : memref<40x32xf32, #tpu.memory_space<vmem>>)
      %mul3A_181 = arith.constant 40 : i32
      %mul3A_182 = arith.muli %mul3A_121, %mul3A_181 : i32
      %add3A_183 = arith.addi %mul3A_65, %mul3A_182 : i32
      %dma_wait3A_184 = arith.constant 0 : i32
      %dma_wait3A_185 = arith.constant 0 : i32
      %dma_wait3A_186 = arith.constant 0 : i32
      %dma_wait3A_187 = tpu.memref_slice %arg13[%dma_wait3A_184, %dma_wait3A_185, %dma_wait3A_186] : memref<2x40x32xf32, #tpu.memory_space<vmem>> -> memref<1x40x32xf32, #tpu.memory_space<vmem>>
      %dma_wait3A_188 = tpu.memref_squeeze %dma_wait3A_187 : memref<1x40x32xf32, #tpu.memory_space<vmem>> -> memref<40x32xf32, #tpu.memory_space<vmem>>
      %dma_wait3A_189 = tpu.memref_slice %arg6[%add3A_183, %mul3A_49] : memref<80000x128xf32, #tpu.memory_space<hbm>> -> memref<40x32xf32, #tpu.memory_space<hbm>>
      %dma_wait3A_190 = arith.constant 0 : i32
      %dma_wait3A_191 = arith.constant 0 : i32
      %dma_wait3A_192 = tpu.memref_slice %arg13[%dma_wait3A_184, %dma_wait3A_190, %dma_wait3A_191] : memref<2x40x32xf32, #tpu.memory_space<vmem>> -> memref<1x40x32xf32, #tpu.memory_space<vmem>>
      %dma_wait3A_193 = tpu.memref_squeeze %dma_wait3A_192 : memref<1x40x32xf32, #tpu.memory_space<vmem>> -> memref<40x32xf32, #tpu.memory_space<vmem>>
      %dma_wait3A_194 = tpu.memref_slice %arg6[%add3A_183, %mul3A_49] : memref<80000x128xf32, #tpu.memory_space<hbm>> -> memref<40x32xf32, #tpu.memory_space<hbm>>
      tpu.wait_dma2 semaphore(%arg24 : memref<!tpu.dma_semaphore, #tpu.memory_space<semaphore_mem>>) src(%dma_wait3A_194 : memref<40x32xf32, #tpu.memory_space<hbm>>) dst(%dma_wait3A_193 : memref<40x32xf32, #tpu.memory_space<vmem>>)
      %parallel_loop3A = arith.constant 0 : i32
      %parallel_loop3A_195 = arith.constant 40 : i32
      %parallel_loop3A_196 = arith.constant 1 : i32
      scf.for %parallel_loop3A_245 = %parallel_loop3A to %parallel_loop3A_195 step %parallel_loop3A_196  : i32 {
        %parallel_loop3A_246 = arith.constant 0 : i32
        %parallel_loop3A_247 = arith.index_cast %parallel_loop3A_246 : i32 to index
        %parallel_loop3A_248 = arith.index_cast %parallel_loop3A_245 : i32 to index
        %parallel_loop3A_249 = arith.constant 0 : index
        %parallel_loop3A_250 = tpu.vector_load %arg11[%parallel_loop3A_247, %parallel_loop3A_248, %parallel_loop3A_249] {strides = array<i32>} : memref<2x40x32xf32, #tpu.memory_space<vmem>>, vector<1x1x16xf32>,
        %parallel_loop3A_251 = vector.shape_cast %parallel_loop3A_250 : vector<1x1x16xf32> to vector<16xf32>
        %parallel_loop3A_252 = arith.constant 0 : i32
        %parallel_loop3A_253 = arith.index_cast %parallel_loop3A_252 : i32 to index
        %parallel_loop3A_254 = arith.index_cast %parallel_loop3A_245 : i32 to index
        %parallel_loop3A_255 = arith.constant 0 : index
        %parallel_loop3A_256 = tpu.vector_load %arg12[%parallel_loop3A_253, %parallel_loop3A_254, %parallel_loop3A_255] {strides = array<i32>} : memref<2x40x32xf32, #tpu.memory_space<vmem>>, vector<1x1x16xf32>,
        %parallel_loop3A_257 = vector.shape_cast %parallel_loop3A_256 : vector<1x1x16xf32> to vector<16xf32>
        %parallel_loop3A_258 = arith.constant 0 : i32
        %parallel_loop3A_259 = arith.index_cast %parallel_loop3A_258 : i32 to index
        %parallel_loop3A_260 = arith.index_cast %parallel_loop3A_245 : i32 to index
        %parallel_loop3A_261 = arith.constant 0 : index
        %parallel_loop3A_262 = tpu.vector_load %arg13[%parallel_loop3A_259, %parallel_loop3A_260, %parallel_loop3A_261] {strides = array<i32>} : memref<2x40x32xf32, #tpu.memory_space<vmem>>, vector<1x1x16xf32>,
        %parallel_loop3A_263 = vector.shape_cast %parallel_loop3A_262 : vector<1x1x16xf32> to vector<16xf32>
        %parallel_loop3A_264 = arith.addf %parallel_loop3A_251, %parallel_loop3A_257 : vector<16xf32>
        %parallel_loop3A_265 = arith.addf %parallel_loop3A_264, %parallel_loop3A_263 : vector<16xf32>
        %parallel_loop3A_266 = arith.constant 0.000000e+00 : f32
        %parallel_loop3A_267 = vector.broadcast %parallel_loop3A_266 : f32 to vector<16xf32>
        %parallel_loop3A_268 = arith.maximumf %parallel_loop3A_265, %parallel_loop3A_267 : vector<16xf32>
        %parallel_loop3A_269 = arith.constant 0 : i32
        %parallel_loop3A_270 = arith.index_cast %parallel_loop3A_269 : i32 to index
        %parallel_loop3A_271 = arith.index_cast %parallel_loop3A_245 : i32 to index
        %parallel_loop3A_272 = arith.constant 0 : index
        %parallel_loop3A_273 = tpu.vector_load %arg14[%parallel_loop3A_270, %parallel_loop3A_271, %parallel_loop3A_272] {strides = array<i32>} : memref<2x40x32xf32, #tpu.memory_space<vmem>>, vector<1x1x16xf32>,
        %parallel_loop3A_274 = vector.shape_cast %parallel_loop3A_273 : vector<1x1x16xf32> to vector<16xf32>
        %parallel_loop3A_275 = vector.shape_cast %parallel_loop3A_268 : vector<16xf32> to vector<1x1x16xf32>
        tpu.vector_store %arg14[%parallel_loop3A_270, %parallel_loop3A_271, %parallel_loop3A_272], %parallel_loop3A_275 {strides = array<i32>} : memref<2x40x32xf32, #tpu.memory_space<vmem>>, vector<1x1x16xf32>,
        %parallel_loop3A_276 = arith.constant 0 : i32
        %parallel_loop3A_277 = arith.index_cast %parallel_loop3A_276 : i32 to index
        %parallel_loop3A_278 = arith.index_cast %parallel_loop3A_245 : i32 to index
        %parallel_loop3A_279 = arith.constant 16 : index
        %parallel_loop3A_280 = tpu.vector_load %arg11[%parallel_loop3A_277, %parallel_loop3A_278, %parallel_loop3A_279] {strides = array<i32>} : memref<2x40x32xf32, #tpu.memory_space<vmem>>, vector<1x1x16xf32>,
        %parallel_loop3A_281 = vector.shape_cast %parallel_loop3A_280 : vector<1x1x16xf32> to vector<16xf32>
        %parallel_loop3A_282 = arith.constant 0 : i32
        %parallel_loop3A_283 = arith.index_cast %parallel_loop3A_282 : i32 to index
        %parallel_loop3A_284 = arith.index_cast %parallel_loop3A_245 : i32 to index
        %parallel_loop3A_285 = arith.constant 16 : index
        %parallel_loop3A_286 = tpu.vector_load %arg12[%parallel_loop3A_283, %parallel_loop3A_284, %parallel_loop3A_285] {strides = array<i32>} : memref<2x40x32xf32, #tpu.memory_space<vmem>>, vector<1x1x16xf32>,
        %parallel_loop3A_287 = vector.shape_cast %parallel_loop3A_286 : vector<1x1x16xf32> to vector<16xf32>
        %parallel_loop3A_288 = arith.constant 0 : i32
        %parallel_loop3A_289 = arith.index_cast %parallel_loop3A_288 : i32 to index
        %parallel_loop3A_290 = arith.index_cast %parallel_loop3A_245 : i32 to index
        %parallel_loop3A_291 = arith.constant 16 : index
        %parallel_loop3A_292 = tpu.vector_load %arg13[%parallel_loop3A_289, %parallel_loop3A_290, %parallel_loop3A_291] {strides = array<i32>} : memref<2x40x32xf32, #tpu.memory_space<vmem>>, vector<1x1x16xf32>,
        %parallel_loop3A_293 = vector.shape_cast %parallel_loop3A_292 : vector<1x1x16xf32> to vector<16xf32>
        %parallel_loop3A_294 = arith.addf %parallel_loop3A_281, %parallel_loop3A_287 : vector<16xf32>
        %parallel_loop3A_295 = arith.addf %parallel_loop3A_294, %parallel_loop3A_293 : vector<16xf32>
        %parallel_loop3A_296 = arith.constant 0.000000e+00 : f32
        %parallel_loop3A_297 = vector.broadcast %parallel_loop3A_296 : f32 to vector<16xf32>
        %parallel_loop3A_298 = arith.maximumf %parallel_loop3A_295, %parallel_loop3A_297 : vector<16xf32>
        %parallel_loop3A_299 = arith.constant 0 : i32
        %parallel_loop3A_300 = arith.index_cast %parallel_loop3A_299 : i32 to index
        %parallel_loop3A_301 = arith.index_cast %parallel_loop3A_245 : i32 to index
        %parallel_loop3A_302 = arith.constant 16 : index
        %parallel_loop3A_303 = tpu.vector_load %arg14[%parallel_loop3A_300, %parallel_loop3A_301, %parallel_loop3A_302] {strides = array<i32>} : memref<2x40x32xf32, #tpu.memory_space<vmem>>, vector<1x1x16xf32>,
        %parallel_loop3A_304 = vector.shape_cast %parallel_loop3A_303 : vector<1x1x16xf32> to vector<16xf32>
        %parallel_loop3A_305 = vector.shape_cast %parallel_loop3A_298 : vector<16xf32> to vector<1x1x16xf32>
        tpu.vector_store %arg14[%parallel_loop3A_300, %parallel_loop3A_301, %parallel_loop3A_302], %parallel_loop3A_305 {strides = array<i32>} : memref<2x40x32xf32, #tpu.memory_space<vmem>>, vector<1x1x16xf32>,
      } {sc.loop_unroll_factor = 4 : i64, sc.parallel_access}
      %run_scoped3A = arith.constant 0 : i32
      "tpu.region"() ({
        %run_scoped3A_245 = tpu.sem_alloc : memref<!tpu.dma_semaphore, #tpu.memory_space<semaphore_mem>>
        %dma_start3A_246 = arith.constant 0 : i32
        %dma_start3A_247 = arith.constant 0 : i32
        %dma_start3A_248 = tpu.memref_slice %arg14[%run_scoped3A, %dma_start3A_246, %dma_start3A_247] : memref<2x40x32xf32, #tpu.memory_space<vmem>> -> memref<1x40x32xf32, #tpu.memory_space<vmem>>
        %dma_start3A_249 = tpu.memref_squeeze %dma_start3A_248 : memref<1x40x32xf32, #tpu.memory_space<vmem>> -> memref<40x32xf32, #tpu.memory_space<vmem>>
        %dma_start3A_250 = arith.constant 0 : i32
        %dma_start3A_251 = tpu.memref_slice %arg9[%mul3A_121, %dma_start3A_250] : memref<250x40xi32, #tpu.memory_space<vmem>> -> memref<1x40xi32, #tpu.memory_space<vmem>>
        %dma_start3A_252 = tpu.memref_squeeze %dma_start3A_251 : memref<1x40xi32, #tpu.memory_space<vmem>> -> memref<40xi32, #tpu.memory_space<vmem>>
        %dma_start3A_253 = arith.constant 0 : i32
        %dma_start3A_254 = arith.constant 0 : i32
        %dma_start3A_255 = tpu.memref_slice %arg18[%dma_start3A_253, %dma_start3A_254] : memref<10240x32xf32, #tpu.memory_space<vmem_shared>> -> memref<10240x32xf32, #tpu.memory_space<vmem_shared>>
        tpu.enqueue_indirect_dma source(%dma_start3A_249 : memref<40x32xf32, #tpu.memory_space<vmem>>) target(%dma_start3A_255 : memref<10240x32xf32, #tpu.memory_space<vmem_shared>>) offsets(%dma_start3A_252 : memref<40xi32, #tpu.memory_space<vmem>>) semaphore(%run_scoped3A_245 : memref<!tpu.dma_semaphore, #tpu.memory_space<semaphore_mem>>) {add = true}
        %dma_wait3A_256 = arith.constant 0 : i32
        %dma_wait3A_257 = arith.constant 0 : i32
        %dma_wait3A_258 = tpu.memref_slice %arg14[%run_scoped3A, %dma_wait3A_256, %dma_wait3A_257] : memref<2x40x32xf32, #tpu.memory_space<vmem>> -> memref<1x40x32xf32, #tpu.memory_space<vmem>>
        %dma_wait3A_259 = tpu.memref_squeeze %dma_wait3A_258 : memref<1x40x32xf32, #tpu.memory_space<vmem>> -> memref<40x32xf32, #tpu.memory_space<vmem>>
        %dma_wait3A_260 = arith.constant 0 : i32
        %dma_wait3A_261 = tpu.memref_slice %arg9[%mul3A_121, %dma_wait3A_260] : memref<250x40xi32, #tpu.memory_space<vmem>> -> memref<1x40xi32, #tpu.memory_space<vmem>>
        %dma_wait3A_262 = tpu.memref_squeeze %dma_wait3A_261 : memref<1x40xi32, #tpu.memory_space<vmem>> -> memref<40xi32, #tpu.memory_space<vmem>>
        %dma_wait3A_263 = arith.constant 0 : i32
        %dma_wait3A_264 = arith.constant 0 : i32
        %dma_wait3A_265 = tpu.memref_slice %arg18[%dma_wait3A_263, %dma_wait3A_264] : memref<10240x32xf32, #tpu.memory_space<vmem_shared>> -> memref<10240x32xf32, #tpu.memory_space<vmem_shared>>
        tpu.wait_indirect_dma semaphore(%run_scoped3A_245 : memref<!tpu.dma_semaphore, #tpu.memory_space<semaphore_mem>>) src(%dma_wait3A_259 : memref<40x32xf32, #tpu.memory_space<vmem>>) dst(%dma_wait3A_265 : memref<10240x32xf32, #tpu.memory_space<vmem_shared>>)
        tpu.yield
      }) : () -> ()
      "tpu.region"() ({
        %run_scoped3A_245 = tpu.sem_alloc : memref<!tpu.dma_semaphore, #tpu.memory_space<semaphore_mem>>
        %dma_start3A_246 = arith.constant 0 : i32
        %dma_start3A_247 = tpu.memref_slice %arg9[%mul3A_121, %dma_start3A_246] : memref<250x40xi32, #tpu.memory_space<vmem>> -> memref<1x40xi32, #tpu.memory_space<vmem>>
        %dma_start3A_248 = tpu.memref_squeeze %dma_start3A_247 : memref<1x40xi32, #tpu.memory_space<vmem>> -> memref<40xi32, #tpu.memory_space<vmem>>
        %dma_start3A_249 = arith.constant 0 : i32
        %dma_start3A_250 = tpu.memref_slice %arg19[%dma_start3A_249] : memref<10240xf32, #tpu.memory_space<vmem_shared>> -> memref<10240xf32, #tpu.memory_space<vmem_shared>>
        tpu.enqueue_indirect_dma source(%arg15 : memref<40xf32, #tpu.memory_space<vmem>>) target(%dma_start3A_250 : memref<10240xf32, #tpu.memory_space<vmem_shared>>) offsets(%dma_start3A_248 : memref<40xi32, #tpu.memory_space<vmem>>) semaphore(%run_scoped3A_245 : memref<!tpu.dma_semaphore, #tpu.memory_space<semaphore_mem>>) {add = true}
        %dma_wait3A_251 = arith.constant 0 : i32
        %dma_wait3A_252 = tpu.memref_slice %arg9[%mul3A_121, %dma_wait3A_251] : memref<250x40xi32, #tpu.memory_space<vmem>> -> memref<1x40xi32, #tpu.memory_space<vmem>>
        %dma_wait3A_253 = tpu.memref_squeeze %dma_wait3A_252 : memref<1x40xi32, #tpu.memory_space<vmem>> -> memref<40xi32, #tpu.memory_space<vmem>>
        %dma_wait3A_254 = arith.constant 0 : i32
        %dma_wait3A_255 = tpu.memref_slice %arg19[%dma_wait3A_254] : memref<10240xf32, #tpu.memory_space<vmem_shared>> -> memref<10240xf32, #tpu.memory_space<vmem_shared>>
        tpu.wait_indirect_dma semaphore(%run_scoped3A_245 : memref<!tpu.dma_semaphore, #tpu.memory_space<semaphore_mem>>) src(%arg15 : memref<40xf32, #tpu.memory_space<vmem>>) dst(%dma_wait3A_255 : memref<10240xf32, #tpu.memory_space<vmem_shared>>)
        tpu.yield
      }) : () -> ()
      %add3A_197 = arith.constant 2 : i32
      %add3A_198 = arith.addi %mul3A_121, %add3A_197 : i32
      %lt3A_199 = arith.constant 250 : i32
      %lt3A_200 = arith.cmpi slt, %add3A_198, %lt3A_199 : i32
      %convert_element_type3A = arith.extui %lt3A_200 : i1 to i32
      %cond3A = arith.constant 0 : i32
      %cond3A_201 = arith.cmpi ne, %convert_element_type3A, %cond3A : i32
      scf.if %cond3A_201 {
        %add3A_245 = arith.constant 2 : i32
        %add3A_246 = arith.addi %mul3A_121, %add3A_245 : i32
        %dma_start3A_247 = arith.constant 0 : i32
        %dma_start3A_248 = arith.constant 0 : i32
        %dma_start3A_249 = arith.constant 0 : i32
        %dma_start3A_250 = tpu.memref_slice %arg11[%dma_start3A_247, %dma_start3A_248, %dma_start3A_249] : memref<2x40x32xf32, #tpu.memory_space<vmem>> -> memref<1x40x32xf32, #tpu.memory_space<vmem>>
        %dma_start3A_251 = tpu.memref_squeeze %dma_start3A_250 : memref<1x40x32xf32, #tpu.memory_space<vmem>> -> memref<40x32xf32, #tpu.memory_space<vmem>>
        %dma_start3A_252 = arith.constant 0 : i32
        %dma_start3A_253 = tpu.memref_slice %arg9[%add3A_246, %dma_start3A_252] : memref<250x40xi32, #tpu.memory_space<vmem>> -> memref<1x40xi32, #tpu.memory_space<vmem>>
        %dma_start3A_254 = tpu.memref_squeeze %dma_start3A_253 : memref<1x40xi32, #tpu.memory_space<vmem>> -> memref<40xi32, #tpu.memory_space<vmem>>
        %dma_start3A_255 = arith.constant 0 : i32
        %dma_start3A_256 = arith.constant 0 : i32
        %dma_start3A_257 = tpu.memref_slice %arg4[%dma_start3A_255, %dma_start3A_256] : memref<10000x32xf32, #tpu.memory_space<hbm>> -> memref<10000x32xf32, #tpu.memory_space<hbm>>
        tpu.enqueue_indirect_dma source(%dma_start3A_257 : memref<10000x32xf32, #tpu.memory_space<hbm>>) target(%dma_start3A_251 : memref<40x32xf32, #tpu.memory_space<vmem>>) offsets(%dma_start3A_254 : memref<40xi32, #tpu.memory_space<vmem>>) semaphore(%arg20 : memref<!tpu.dma_semaphore, #tpu.memory_space<semaphore_mem>>)
        %dma_start3A_258 = arith.constant 0 : i32
        %dma_start3A_259 = arith.constant 0 : i32
        %dma_start3A_260 = arith.constant 0 : i32
        %dma_start3A_261 = tpu.memref_slice %arg12[%dma_start3A_258, %dma_start3A_259, %dma_start3A_260] : memref<2x40x32xf32, #tpu.memory_space<vmem>> -> memref<1x40x32xf32, #tpu.memory_space<vmem>>
        %dma_start3A_262 = tpu.memref_squeeze %dma_start3A_261 : memref<1x40x32xf32, #tpu.memory_space<vmem>> -> memref<40x32xf32, #tpu.memory_space<vmem>>
        %dma_start3A_263 = arith.constant 0 : i32
        %dma_start3A_264 = tpu.memref_slice %arg10[%add3A_246, %dma_start3A_263] : memref<250x40xi32, #tpu.memory_space<vmem>> -> memref<1x40xi32, #tpu.memory_space<vmem>>
        %dma_start3A_265 = tpu.memref_squeeze %dma_start3A_264 : memref<1x40xi32, #tpu.memory_space<vmem>> -> memref<40xi32, #tpu.memory_space<vmem>>
        %dma_start3A_266 = arith.constant 0 : i32
        %dma_start3A_267 = arith.constant 0 : i32
        %dma_start3A_268 = tpu.memref_slice %arg5[%dma_start3A_266, %dma_start3A_267] : memref<10000x32xf32, #tpu.memory_space<hbm>> -> memref<10000x32xf32, #tpu.memory_space<hbm>>
        tpu.enqueue_indirect_dma source(%dma_start3A_268 : memref<10000x32xf32, #tpu.memory_space<hbm>>) target(%dma_start3A_262 : memref<40x32xf32, #tpu.memory_space<vmem>>) offsets(%dma_start3A_265 : memref<40xi32, #tpu.memory_space<vmem>>) semaphore(%arg22 : memref<!tpu.dma_semaphore, #tpu.memory_space<semaphore_mem>>)
        %mul3A_269 = arith.constant 40 : i32
        %mul3A_270 = arith.muli %add3A_246, %mul3A_269 : i32
        %add3A_271 = arith.addi %mul3A_65, %mul3A_270 : i32
        %dma_start3A_272 = arith.constant 0 : i32
        %dma_start3A_273 = arith.constant 0 : i32
        %dma_start3A_274 = arith.constant 0 : i32
        %dma_start3A_275 = tpu.memref_slice %arg13[%dma_start3A_272, %dma_start3A_273, %dma_start3A_274] : memref<2x40x32xf32, #tpu.memory_space<vmem>> -> memref<1x40x32xf32, #tpu.memory_space<vmem>>
        %dma_start3A_276 = tpu.memref_squeeze %dma_start3A_275 : memref<1x40x32xf32, #tpu.memory_space<vmem>> -> memref<40x32xf32, #tpu.memory_space<vmem>>
        %dma_start3A_277 = tpu.memref_slice %arg6[%add3A_271, %mul3A_49] : memref<80000x128xf32, #tpu.memory_space<hbm>> -> memref<40x32xf32, #tpu.memory_space<hbm>>
        %dma_start3A_278 = arith.constant 0 : i32
        %dma_start3A_279 = arith.constant 0 : i32
        %dma_start3A_280 = tpu.memref_slice %arg13[%dma_start3A_272, %dma_start3A_278, %dma_start3A_279] : memref<2x40x32xf32, #tpu.memory_space<vmem>> -> memref<1x40x32xf32, #tpu.memory_space<vmem>>
        %dma_start3A_281 = tpu.memref_squeeze %dma_start3A_280 : memref<1x40x32xf32, #tpu.memory_space<vmem>> -> memref<40x32xf32, #tpu.memory_space<vmem>>
        %dma_start3A_282 = tpu.memref_slice %arg6[%add3A_271, %mul3A_49] : memref<80000x128xf32, #tpu.memory_space<hbm>> -> memref<40x32xf32, #tpu.memory_space<hbm>>
        tpu.enqueue_dma source(%dma_start3A_282 : memref<40x32xf32, #tpu.memory_space<hbm>>) target(%dma_start3A_281 : memref<40x32xf32, #tpu.memory_space<vmem>>) target_semaphore(%arg24 : memref<!tpu.dma_semaphore, #tpu.memory_space<semaphore_mem>>)
      } else {
      }
      %add3A_202 = arith.constant 1 : i32
      %add3A_203 = arith.addi %mul3A_121, %add3A_202 : i32
      %dma_wait3A_204 = arith.constant 1 : i32
      %dma_wait3A_205 = arith.constant 0 : i32
      %dma_wait3A_206 = arith.constant 0 : i32
      %dma_wait3A_207 = tpu.memref_slice %arg11[%dma_wait3A_204, %dma_wait3A_205, %dma_wait3A_206] : memref<2x40x32xf32, #tpu.memory_space<vmem>> -> memref<1x40x32xf32, #tpu.memory_space<vmem>>
      %dma_wait3A_208 = tpu.memref_squeeze %dma_wait3A_207 : memref<1x40x32xf32, #tpu.memory_space<vmem>> -> memref<40x32xf32, #tpu.memory_space<vmem>>
      %dma_wait3A_209 = arith.constant 0 : i32
      %dma_wait3A_210 = tpu.memref_slice %arg9[%add3A_203, %dma_wait3A_209] : memref<250x40xi32, #tpu.memory_space<vmem>> -> memref<1x40xi32, #tpu.memory_space<vmem>>
      %dma_wait3A_211 = tpu.memref_squeeze %dma_wait3A_210 : memref<1x40xi32, #tpu.memory_space<vmem>> -> memref<40xi32, #tpu.memory_space<vmem>>
      %dma_wait3A_212 = arith.constant 0 : i32
      %dma_wait3A_213 = arith.constant 0 : i32
      %dma_wait3A_214 = tpu.memref_slice %arg4[%dma_wait3A_212, %dma_wait3A_213] : memref<10000x32xf32, #tpu.memory_space<hbm>> -> memref<10000x32xf32, #tpu.memory_space<hbm>>
      tpu.wait_indirect_dma semaphore(%arg21 : memref<!tpu.dma_semaphore, #tpu.memory_space<semaphore_mem>>) src(%dma_wait3A_214 : memref<10000x32xf32, #tpu.memory_space<hbm>>) dst(%dma_wait3A_208 : memref<40x32xf32, #tpu.memory_space<vmem>>)
      %dma_wait3A_215 = arith.constant 1 : i32
      %dma_wait3A_216 = arith.constant 0 : i32
      %dma_wait3A_217 = arith.constant 0 : i32
      %dma_wait3A_218 = tpu.memref_slice %arg12[%dma_wait3A_215, %dma_wait3A_216, %dma_wait3A_217] : memref<2x40x32xf32, #tpu.memory_space<vmem>> -> memref<1x40x32xf32, #tpu.memory_space<vmem>>
      %dma_wait3A_219 = tpu.memref_squeeze %dma_wait3A_218 : memref<1x40x32xf32, #tpu.memory_space<vmem>> -> memref<40x32xf32, #tpu.memory_space<vmem>>
      %dma_wait3A_220 = arith.constant 0 : i32
      %dma_wait3A_221 = tpu.memref_slice %arg10[%add3A_203, %dma_wait3A_220] : memref<250x40xi32, #tpu.memory_space<vmem>> -> memref<1x40xi32, #tpu.memory_space<vmem>>
      %dma_wait3A_222 = tpu.memref_squeeze %dma_wait3A_221 : memref<1x40xi32, #tpu.memory_space<vmem>> -> memref<40xi32, #tpu.memory_space<vmem>>
      %dma_wait3A_223 = arith.constant 0 : i32
      %dma_wait3A_224 = arith.constant 0 : i32
      %dma_wait3A_225 = tpu.memref_slice %arg5[%dma_wait3A_223, %dma_wait3A_224] : memref<10000x32xf32, #tpu.memory_space<hbm>> -> memref<10000x32xf32, #tpu.memory_space<hbm>>
      tpu.wait_indirect_dma semaphore(%arg23 : memref<!tpu.dma_semaphore, #tpu.memory_space<semaphore_mem>>) src(%dma_wait3A_225 : memref<10000x32xf32, #tpu.memory_space<hbm>>) dst(%dma_wait3A_219 : memref<40x32xf32, #tpu.memory_space<vmem>>)
      %mul3A_226 = arith.constant 40 : i32
      %mul3A_227 = arith.muli %add3A_203, %mul3A_226 : i32
      %add3A_228 = arith.addi %mul3A_65, %mul3A_227 : i32
      %dma_wait3A_229 = arith.constant 1 : i32
      %dma_wait3A_230 = arith.constant 0 : i32
      %dma_wait3A_231 = arith.constant 0 : i32
      %dma_wait3A_232 = tpu.memref_slice %arg13[%dma_wait3A_229, %dma_wait3A_230, %dma_wait3A_231] : memref<2x40x32xf32, #tpu.memory_space<vmem>> -> memref<1x40x32xf32, #tpu.memory_space<vmem>>
      %dma_wait3A_233 = tpu.memref_squeeze %dma_wait3A_232 : memref<1x40x32xf32, #tpu.memory_space<vmem>> -> memref<40x32xf32, #tpu.memory_space<vmem>>
      %dma_wait3A_234 = tpu.memref_slice %arg6[%add3A_228, %mul3A_49] : memref<80000x128xf32, #tpu.memory_space<hbm>> -> memref<40x32xf32, #tpu.memory_space<hbm>>
      %dma_wait3A_235 = arith.constant 0 : i32
      %dma_wait3A_236 = arith.constant 0 : i32
      %dma_wait3A_237 = tpu.memref_slice %arg13[%dma_wait3A_229, %dma_wait3A_235, %dma_wait3A_236] : memref<2x40x32xf32, #tpu.memory_space<vmem>> -> memref<1x40x32xf32, #tpu.memory_space<vmem>>
      %dma_wait3A_238 = tpu.memref_squeeze %dma_wait3A_237 : memref<1x40x32xf32, #tpu.memory_space<vmem>> -> memref<40x32xf32, #tpu.memory_space<vmem>>
      %dma_wait3A_239 = tpu.memref_slice %arg6[%add3A_228, %mul3A_49] : memref<80000x128xf32, #tpu.memory_space<hbm>> -> memref<40x32xf32, #tpu.memory_space<hbm>>
      tpu.wait_dma2 semaphore(%arg25 : memref<!tpu.dma_semaphore, #tpu.memory_space<semaphore_mem>>) src(%dma_wait3A_239 : memref<40x32xf32, #tpu.memory_space<hbm>>) dst(%dma_wait3A_238 : memref<40x32xf32, #tpu.memory_space<vmem>>)
      %parallel_loop3A_240 = arith.constant 0 : i32
      %parallel_loop3A_241 = arith.constant 40 : i32
      %parallel_loop3A_242 = arith.constant 1 : i32
      scf.for %parallel_loop3A_245 = %parallel_loop3A_240 to %parallel_loop3A_241 step %parallel_loop3A_242  : i32 {
        %parallel_loop3A_246 = arith.constant 1 : i32
        %parallel_loop3A_247 = arith.index_cast %parallel_loop3A_246 : i32 to index
        %parallel_loop3A_248 = arith.index_cast %parallel_loop3A_245 : i32 to index
        %parallel_loop3A_249 = arith.constant 0 : index
        %parallel_loop3A_250 = tpu.vector_load %arg11[%parallel_loop3A_247, %parallel_loop3A_248, %parallel_loop3A_249] {strides = array<i32>} : memref<2x40x32xf32, #tpu.memory_space<vmem>>, vector<1x1x16xf32>,
        %parallel_loop3A_251 = vector.shape_cast %parallel_loop3A_250 : vector<1x1x16xf32> to vector<16xf32>
        %parallel_loop3A_252 = arith.constant 1 : i32
        %parallel_loop3A_253 = arith.index_cast %parallel_loop3A_252 : i32 to index
        %parallel_loop3A_254 = arith.index_cast %parallel_loop3A_245 : i32 to index
        %parallel_loop3A_255 = arith.constant 0 : index
        %parallel_loop3A_256 = tpu.vector_load %arg12[%parallel_loop3A_253, %parallel_loop3A_254, %parallel_loop3A_255] {strides = array<i32>} : memref<2x40x32xf32, #tpu.memory_space<vmem>>, vector<1x1x16xf32>,
        %parallel_loop3A_257 = vector.shape_cast %parallel_loop3A_256 : vector<1x1x16xf32> to vector<16xf32>
        %parallel_loop3A_258 = arith.constant 1 : i32
        %parallel_loop3A_259 = arith.index_cast %parallel_loop3A_258 : i32 to index
        %parallel_loop3A_260 = arith.index_cast %parallel_loop3A_245 : i32 to index
        %parallel_loop3A_261 = arith.constant 0 : index
        %parallel_loop3A_262 = tpu.vector_load %arg13[%parallel_loop3A_259, %parallel_loop3A_260, %parallel_loop3A_261] {strides = array<i32>} : memref<2x40x32xf32, #tpu.memory_space<vmem>>, vector<1x1x16xf32>,
        %parallel_loop3A_263 = vector.shape_cast %parallel_loop3A_262 : vector<1x1x16xf32> to vector<16xf32>
        %parallel_loop3A_264 = arith.addf %parallel_loop3A_251, %parallel_loop3A_257 : vector<16xf32>
        %parallel_loop3A_265 = arith.addf %parallel_loop3A_264, %parallel_loop3A_263 : vector<16xf32>
        %parallel_loop3A_266 = arith.constant 0.000000e+00 : f32
        %parallel_loop3A_267 = vector.broadcast %parallel_loop3A_266 : f32 to vector<16xf32>
        %parallel_loop3A_268 = arith.maximumf %parallel_loop3A_265, %parallel_loop3A_267 : vector<16xf32>
        %parallel_loop3A_269 = arith.constant 1 : i32
        %parallel_loop3A_270 = arith.index_cast %parallel_loop3A_269 : i32 to index
        %parallel_loop3A_271 = arith.index_cast %parallel_loop3A_245 : i32 to index
        %parallel_loop3A_272 = arith.constant 0 : index
        %parallel_loop3A_273 = tpu.vector_load %arg14[%parallel_loop3A_270, %parallel_loop3A_271, %parallel_loop3A_272] {strides = array<i32>} : memref<2x40x32xf32, #tpu.memory_space<vmem>>, vector<1x1x16xf32>,
        %parallel_loop3A_274 = vector.shape_cast %parallel_loop3A_273 : vector<1x1x16xf32> to vector<16xf32>
        %parallel_loop3A_275 = vector.shape_cast %parallel_loop3A_268 : vector<16xf32> to vector<1x1x16xf32>
        tpu.vector_store %arg14[%parallel_loop3A_270, %parallel_loop3A_271, %parallel_loop3A_272], %parallel_loop3A_275 {strides = array<i32>} : memref<2x40x32xf32, #tpu.memory_space<vmem>>, vector<1x1x16xf32>,
        %parallel_loop3A_276 = arith.constant 1 : i32
        %parallel_loop3A_277 = arith.index_cast %parallel_loop3A_276 : i32 to index
        %parallel_loop3A_278 = arith.index_cast %parallel_loop3A_245 : i32 to index
        %parallel_loop3A_279 = arith.constant 16 : index
        %parallel_loop3A_280 = tpu.vector_load %arg11[%parallel_loop3A_277, %parallel_loop3A_278, %parallel_loop3A_279] {strides = array<i32>} : memref<2x40x32xf32, #tpu.memory_space<vmem>>, vector<1x1x16xf32>,
        %parallel_loop3A_281 = vector.shape_cast %parallel_loop3A_280 : vector<1x1x16xf32> to vector<16xf32>
        %parallel_loop3A_282 = arith.constant 1 : i32
        %parallel_loop3A_283 = arith.index_cast %parallel_loop3A_282 : i32 to index
        %parallel_loop3A_284 = arith.index_cast %parallel_loop3A_245 : i32 to index
        %parallel_loop3A_285 = arith.constant 16 : index
        %parallel_loop3A_286 = tpu.vector_load %arg12[%parallel_loop3A_283, %parallel_loop3A_284, %parallel_loop3A_285] {strides = array<i32>} : memref<2x40x32xf32, #tpu.memory_space<vmem>>, vector<1x1x16xf32>,
        %parallel_loop3A_287 = vector.shape_cast %parallel_loop3A_286 : vector<1x1x16xf32> to vector<16xf32>
        %parallel_loop3A_288 = arith.constant 1 : i32
        %parallel_loop3A_289 = arith.index_cast %parallel_loop3A_288 : i32 to index
        %parallel_loop3A_290 = arith.index_cast %parallel_loop3A_245 : i32 to index
        %parallel_loop3A_291 = arith.constant 16 : index
        %parallel_loop3A_292 = tpu.vector_load %arg13[%parallel_loop3A_289, %parallel_loop3A_290, %parallel_loop3A_291] {strides = array<i32>} : memref<2x40x32xf32, #tpu.memory_space<vmem>>, vector<1x1x16xf32>,
        %parallel_loop3A_293 = vector.shape_cast %parallel_loop3A_292 : vector<1x1x16xf32> to vector<16xf32>
        %parallel_loop3A_294 = arith.addf %parallel_loop3A_281, %parallel_loop3A_287 : vector<16xf32>
        %parallel_loop3A_295 = arith.addf %parallel_loop3A_294, %parallel_loop3A_293 : vector<16xf32>
        %parallel_loop3A_296 = arith.constant 0.000000e+00 : f32
        %parallel_loop3A_297 = vector.broadcast %parallel_loop3A_296 : f32 to vector<16xf32>
        %parallel_loop3A_298 = arith.maximumf %parallel_loop3A_295, %parallel_loop3A_297 : vector<16xf32>
        %parallel_loop3A_299 = arith.constant 1 : i32
        %parallel_loop3A_300 = arith.index_cast %parallel_loop3A_299 : i32 to index
        %parallel_loop3A_301 = arith.index_cast %parallel_loop3A_245 : i32 to index
        %parallel_loop3A_302 = arith.constant 16 : index
        %parallel_loop3A_303 = tpu.vector_load %arg14[%parallel_loop3A_300, %parallel_loop3A_301, %parallel_loop3A_302] {strides = array<i32>} : memref<2x40x32xf32, #tpu.memory_space<vmem>>, vector<1x1x16xf32>,
        %parallel_loop3A_304 = vector.shape_cast %parallel_loop3A_303 : vector<1x1x16xf32> to vector<16xf32>
        %parallel_loop3A_305 = vector.shape_cast %parallel_loop3A_298 : vector<16xf32> to vector<1x1x16xf32>
        tpu.vector_store %arg14[%parallel_loop3A_300, %parallel_loop3A_301, %parallel_loop3A_302], %parallel_loop3A_305 {strides = array<i32>} : memref<2x40x32xf32, #tpu.memory_space<vmem>>, vector<1x1x16xf32>,
      } {sc.loop_unroll_factor = 4 : i64, sc.parallel_access}
      %run_scoped3A_243 = arith.constant 1 : i32
      "tpu.region"() ({
        %run_scoped3A_245 = tpu.sem_alloc : memref<!tpu.dma_semaphore, #tpu.memory_space<semaphore_mem>>
        %dma_start3A_246 = arith.constant 0 : i32
        %dma_start3A_247 = arith.constant 0 : i32
        %dma_start3A_248 = tpu.memref_slice %arg14[%run_scoped3A_243, %dma_start3A_246, %dma_start3A_247] : memref<2x40x32xf32, #tpu.memory_space<vmem>> -> memref<1x40x32xf32, #tpu.memory_space<vmem>>
        %dma_start3A_249 = tpu.memref_squeeze %dma_start3A_248 : memref<1x40x32xf32, #tpu.memory_space<vmem>> -> memref<40x32xf32, #tpu.memory_space<vmem>>
        %dma_start3A_250 = arith.constant 0 : i32
        %dma_start3A_251 = tpu.memref_slice %arg9[%add3A_203, %dma_start3A_250] : memref<250x40xi32, #tpu.memory_space<vmem>> -> memref<1x40xi32, #tpu.memory_space<vmem>>
        %dma_start3A_252 = tpu.memref_squeeze %dma_start3A_251 : memref<1x40xi32, #tpu.memory_space<vmem>> -> memref<40xi32, #tpu.memory_space<vmem>>
        %dma_start3A_253 = arith.constant 0 : i32
        %dma_start3A_254 = arith.constant 0 : i32
        %dma_start3A_255 = tpu.memref_slice %arg18[%dma_start3A_253, %dma_start3A_254] : memref<10240x32xf32, #tpu.memory_space<vmem_shared>> -> memref<10240x32xf32, #tpu.memory_space<vmem_shared>>
        tpu.enqueue_indirect_dma source(%dma_start3A_249 : memref<40x32xf32, #tpu.memory_space<vmem>>) target(%dma_start3A_255 : memref<10240x32xf32, #tpu.memory_space<vmem_shared>>) offsets(%dma_start3A_252 : memref<40xi32, #tpu.memory_space<vmem>>) semaphore(%run_scoped3A_245 : memref<!tpu.dma_semaphore, #tpu.memory_space<semaphore_mem>>) {add = true}
        %dma_wait3A_256 = arith.constant 0 : i32
        %dma_wait3A_257 = arith.constant 0 : i32
        %dma_wait3A_258 = tpu.memref_slice %arg14[%run_scoped3A_243, %dma_wait3A_256, %dma_wait3A_257] : memref<2x40x32xf32, #tpu.memory_space<vmem>> -> memref<1x40x32xf32, #tpu.memory_space<vmem>>
        %dma_wait3A_259 = tpu.memref_squeeze %dma_wait3A_258 : memref<1x40x32xf32, #tpu.memory_space<vmem>> -> memref<40x32xf32, #tpu.memory_space<vmem>>
        %dma_wait3A_260 = arith.constant 0 : i32
        %dma_wait3A_261 = tpu.memref_slice %arg9[%add3A_203, %dma_wait3A_260] : memref<250x40xi32, #tpu.memory_space<vmem>> -> memref<1x40xi32, #tpu.memory_space<vmem>>
        %dma_wait3A_262 = tpu.memref_squeeze %dma_wait3A_261 : memref<1x40xi32, #tpu.memory_space<vmem>> -> memref<40xi32, #tpu.memory_space<vmem>>
        %dma_wait3A_263 = arith.constant 0 : i32
        %dma_wait3A_264 = arith.constant 0 : i32
        %dma_wait3A_265 = tpu.memref_slice %arg18[%dma_wait3A_263, %dma_wait3A_264] : memref<10240x32xf32, #tpu.memory_space<vmem_shared>> -> memref<10240x32xf32, #tpu.memory_space<vmem_shared>>
        tpu.wait_indirect_dma semaphore(%run_scoped3A_245 : memref<!tpu.dma_semaphore, #tpu.memory_space<semaphore_mem>>) src(%dma_wait3A_259 : memref<40x32xf32, #tpu.memory_space<vmem>>) dst(%dma_wait3A_265 : memref<10240x32xf32, #tpu.memory_space<vmem_shared>>)
        tpu.yield
      }) : () -> ()
      "tpu.region"() ({
        %run_scoped3A_245 = tpu.sem_alloc : memref<!tpu.dma_semaphore, #tpu.memory_space<semaphore_mem>>
        %dma_start3A_246 = arith.constant 0 : i32
        %dma_start3A_247 = tpu.memref_slice %arg9[%add3A_203, %dma_start3A_246] : memref<250x40xi32, #tpu.memory_space<vmem>> -> memref<1x40xi32, #tpu.memory_space<vmem>>
        %dma_start3A_248 = tpu.memref_squeeze %dma_start3A_247 : memref<1x40xi32, #tpu.memory_space<vmem>> -> memref<40xi32, #tpu.memory_space<vmem>>
        %dma_start3A_249 = arith.constant 0 : i32
        %dma_start3A_250 = tpu.memref_slice %arg19[%dma_start3A_249] : memref<10240xf32, #tpu.memory_space<vmem_shared>> -> memref<10240xf32, #tpu.memory_space<vmem_shared>>
        tpu.enqueue_indirect_dma source(%arg15 : memref<40xf32, #tpu.memory_space<vmem>>) target(%dma_start3A_250 : memref<10240xf32, #tpu.memory_space<vmem_shared>>) offsets(%dma_start3A_248 : memref<40xi32, #tpu.memory_space<vmem>>) semaphore(%run_scoped3A_245 : memref<!tpu.dma_semaphore, #tpu.memory_space<semaphore_mem>>) {add = true}
        %dma_wait3A_251 = arith.constant 0 : i32
        %dma_wait3A_252 = tpu.memref_slice %arg9[%add3A_203, %dma_wait3A_251] : memref<250x40xi32, #tpu.memory_space<vmem>> -> memref<1x40xi32, #tpu.memory_space<vmem>>
        %dma_wait3A_253 = tpu.memref_squeeze %dma_wait3A_252 : memref<1x40xi32, #tpu.memory_space<vmem>> -> memref<40xi32, #tpu.memory_space<vmem>>
        %dma_wait3A_254 = arith.constant 0 : i32
        %dma_wait3A_255 = tpu.memref_slice %arg19[%dma_wait3A_254] : memref<10240xf32, #tpu.memory_space<vmem_shared>> -> memref<10240xf32, #tpu.memory_space<vmem_shared>>
        tpu.wait_indirect_dma semaphore(%run_scoped3A_245 : memref<!tpu.dma_semaphore, #tpu.memory_space<semaphore_mem>>) src(%arg15 : memref<40xf32, #tpu.memory_space<vmem>>) dst(%dma_wait3A_255 : memref<10240xf32, #tpu.memory_space<vmem_shared>>)
        tpu.yield
      }) : () -> ()
      %scan3A_244 = arith.constant 0 : i32
      scf.yield %scan3A_244 : i32
    }
    %scan3A_108 = arith.constant 125 : i32
    %barrier3A_109 = arith.constant 0 : index
    tpu.barrier barrier_id(%barrier3A_109)
    %mul3A_110 = arith.constant 640 : i32
    %mul3A_111 = arith.muli %arg1, %mul3A_110 : i32
    %mul3A_112 = arith.constant 640 : i32
    %mul3A_113 = arith.muli %arg1, %mul3A_112 : i32
    "tpu.region"() ({
      %run_scoped3A = tpu.sem_alloc : memref<!tpu.dma_semaphore, #tpu.memory_space<semaphore_mem>>
      %dma_start3A_118 = arith.constant 0 : i32
      %dma_start3A_119 = tpu.memref_slice %arg7[%arg0, %mul3A_113, %dma_start3A_118] : memref<2x10240x32xf32, #tpu.memory_space<hbm>> -> memref<1x640x32xf32, #tpu.memory_space<hbm>>
      %dma_start3A_120 = tpu.memref_squeeze %dma_start3A_119 : memref<1x640x32xf32, #tpu.memory_space<hbm>> -> memref<640x32xf32, #tpu.memory_space<hbm>>
      %dma_start3A_121 = arith.constant 0 : i32
      %dma_start3A_122 = tpu.memref_slice %arg18[%mul3A_111, %dma_start3A_121] : memref<10240x32xf32, #tpu.memory_space<vmem_shared>> -> memref<640x32xf32, #tpu.memory_space<vmem_shared>>
      tpu.enqueue_dma source(%dma_start3A_122 : memref<640x32xf32, #tpu.memory_space<vmem_shared>>) target(%dma_start3A_120 : memref<640x32xf32, #tpu.memory_space<hbm>>) target_semaphore(%run_scoped3A : memref<!tpu.dma_semaphore, #tpu.memory_space<semaphore_mem>>)
      %dma_wait3A = arith.constant 0 : i32
      %dma_wait3A_123 = tpu.memref_slice %arg7[%arg0, %mul3A_113, %dma_wait3A] : memref<2x10240x32xf32, #tpu.memory_space<hbm>> -> memref<1x640x32xf32, #tpu.memory_space<hbm>>
      %dma_wait3A_124 = tpu.memref_squeeze %dma_wait3A_123 : memref<1x640x32xf32, #tpu.memory_space<hbm>> -> memref<640x32xf32, #tpu.memory_space<hbm>>
      %dma_wait3A_125 = arith.constant 0 : i32
      %dma_wait3A_126 = tpu.memref_slice %arg18[%mul3A_111, %dma_wait3A_125] : memref<10240x32xf32, #tpu.memory_space<vmem_shared>> -> memref<640x32xf32, #tpu.memory_space<vmem_shared>>
      tpu.wait_dma2 semaphore(%run_scoped3A : memref<!tpu.dma_semaphore, #tpu.memory_space<semaphore_mem>>) src(%dma_wait3A_126 : memref<640x32xf32, #tpu.memory_space<vmem_shared>>) dst(%dma_wait3A_124 : memref<640x32xf32, #tpu.memory_space<hbm>>)
      tpu.yield
    }) : () -> ()
    %mul3A_114 = arith.constant 640 : i32
    %mul3A_115 = arith.muli %arg1, %mul3A_114 : i32
    %mul3A_116 = arith.constant 640 : i32
    %mul3A_117 = arith.muli %arg1, %mul3A_116 : i32
    "tpu.region"() ({
      %run_scoped3A = tpu.sem_alloc : memref<!tpu.dma_semaphore, #tpu.memory_space<semaphore_mem>>
      %dma_start3A_118 = tpu.memref_slice %arg8[%arg0, %mul3A_117] : memref<2x10240xf32, #tpu.memory_space<hbm>> -> memref<1x640xf32, #tpu.memory_space<hbm>>
      %dma_start3A_119 = tpu.memref_squeeze %dma_start3A_118 : memref<1x640xf32, #tpu.memory_space<hbm>> -> memref<640xf32, #tpu.memory_space<hbm>>
      %dma_start3A_120 = tpu.memref_slice %arg19[%mul3A_115] : memref<10240xf32, #tpu.memory_space<vmem_shared>> -> memref<640xf32, #tpu.memory_space<vmem_shared>>
      tpu.enqueue_dma source(%dma_start3A_120 : memref<640xf32, #tpu.memory_space<vmem_shared>>) target(%dma_start3A_119 : memref<640xf32, #tpu.memory_space<hbm>>) target_semaphore(%run_scoped3A : memref<!tpu.dma_semaphore, #tpu.memory_space<semaphore_mem>>)
      %dma_wait3A = tpu.memref_slice %arg8[%arg0, %mul3A_117] : memref<2x10240xf32, #tpu.memory_space<hbm>> -> memref<1x640xf32, #tpu.memory_space<hbm>>
      %dma_wait3A_121 = tpu.memref_squeeze %dma_wait3A : memref<1x640xf32, #tpu.memory_space<hbm>> -> memref<640xf32, #tpu.memory_space<hbm>>
      %dma_wait3A_122 = tpu.memref_slice %arg19[%mul3A_115] : memref<10240xf32, #tpu.memory_space<vmem_shared>> -> memref<640xf32, #tpu.memory_space<vmem_shared>>
      tpu.wait_dma2 semaphore(%run_scoped3A : memref<!tpu.dma_semaphore, #tpu.memory_space<semaphore_mem>>) src(%dma_wait3A_122 : memref<640xf32, #tpu.memory_space<vmem_shared>>) dst(%dma_wait3A_121 : memref<640xf32, #tpu.memory_space<hbm>>)
      tpu.yield
    }) : () -> ()
    return
  }
}

module attributes {stable_mosaic.version = 14 : i64} {
  func.func @body(%arg0: i32, %arg1: memref<16x3200xf32, #tpu.memory_space<vmem>>, %arg2: memref<16x3200xf32, #tpu.memory_space<vmem>>, %arg3: memref<16x3200xf32, #tpu.memory_space<vmem>>, %arg4: memref<16x3200xf32, #tpu.memory_space<vmem>>, %arg5: memref<16x32xf32, #tpu.memory_space<vmem>>, %arg6: memref<1x32xf32, #tpu.memory_space<vmem>>, %arg7: memref<3200x128xf32, #tpu.memory_space<vmem>>) attributes {dimension_semantics = [#tpu.dimension_semantics<arbitrary>], iteration_bounds = array<i64: 25>, scalar_prefetch = 0 : i64, scratch_operands = 0 : i64, tpu.core_type = #tpu.core_type<tc>, window_params = [{transform_indices = @transform_0, window_bounds = array<i64: 16, 3200>}, {transform_indices = @transform_1, window_bounds = array<i64: 16, 3200>}, {transform_indices = @transform_2, window_bounds = array<i64: 16, 3200>}, {transform_indices = @transform_3, window_bounds = array<i64: 16, 3200>}, {pipeline_mode = #tpu.pipeline_mode<synchronous>, transform_indices = @transform_4, window_bounds = array<i64: 16, 32>}, {pipeline_mode = #tpu.pipeline_mode<synchronous>, transform_indices = @transform_5, window_bounds = array<i64: 1, 32>}, {transform_indices = @transform_6, window_bounds = array<i64: 3200, 128>}]} {
    %get3A = arith.constant 0 : index
    %get3A_0 = arith.constant 0 : index
    %get3A_1 = vector.load %arg5[%get3A, %get3A_0] : memref<16x32xf32, #tpu.memory_space<vmem>>, vector<16x32xf32>
    %get3A_2 = arith.constant 0 : index
    %get3A_3 = arith.constant 0 : index
    %get3A_4 = vector.load %arg6[%get3A_2, %get3A_3] : memref<1x32xf32, #tpu.memory_space<vmem>>, vector<1x32xf32>
    %get3A_5 = arith.constant 0 : index
    %get3A_6 = arith.constant 0 : index
    %get3A_7 = vector.load %arg1[%get3A_5, %get3A_6] : memref<16x3200xf32, #tpu.memory_space<vmem>>, vector<16x3200xf32>
    %dot_general3A = arith.constant dense<0.000000e+00> : vector<3200x32xf32>
    %dot_general3A_8 = tpu.matmul %get3A_7, %get3A_1, %dot_general3A {dimension_numbers = #tpu.dot_dimension_numbers<[0], [0], [1], [1], [0, 1, 1, 1], [], []>, transpose_lhs_hint = false} : vector<16x3200xf32>, vector<16x32xf32>, vector<3200x32xf32> -> vector<3200x32xf32>
    %add3A = vector.broadcast %get3A_4 : vector<1x32xf32> to vector<3200x32xf32>
    %add3A_9 = arith.addf %dot_general3A_8, %add3A : vector<3200x32xf32>
    %swap3A = arith.constant 0 : index
    %swap3A_10 = arith.constant 0 : index
    %swap3A_11 = vector.load %arg7[%swap3A, %swap3A_10] : memref<3200x128xf32, #tpu.memory_space<vmem>>, vector<3200x32xf32>
    tpu.vector_store %arg7[%swap3A, %swap3A_10], %add3A_9 {strides = array<i32>} : memref<3200x128xf32, #tpu.memory_space<vmem>>, vector<3200x32xf32>,
    %get3A_12 = arith.constant 0 : index
    %get3A_13 = arith.constant 0 : index
    %get3A_14 = vector.load %arg2[%get3A_12, %get3A_13] : memref<16x3200xf32, #tpu.memory_space<vmem>>, vector<16x3200xf32>
    %dot_general3A_15 = arith.constant dense<0.000000e+00> : vector<3200x32xf32>
    %dot_general3A_16 = tpu.matmul %get3A_14, %get3A_1, %dot_general3A_15 {dimension_numbers = #tpu.dot_dimension_numbers<[0], [0], [1], [1], [0, 1, 1, 1], [], []>, transpose_lhs_hint = false} : vector<16x3200xf32>, vector<16x32xf32>, vector<3200x32xf32> -> vector<3200x32xf32>
    %add3A_17 = vector.broadcast %get3A_4 : vector<1x32xf32> to vector<3200x32xf32>
    %add3A_18 = arith.addf %dot_general3A_16, %add3A_17 : vector<3200x32xf32>
    %swap3A_19 = arith.constant 0 : index
    %swap3A_20 = arith.constant 32 : index
    %swap3A_21 = vector.load %arg7[%swap3A_19, %swap3A_20] : memref<3200x128xf32, #tpu.memory_space<vmem>>, vector<3200x32xf32>
    tpu.vector_store %arg7[%swap3A_19, %swap3A_20], %add3A_18 {strides = array<i32>} : memref<3200x128xf32, #tpu.memory_space<vmem>>, vector<3200x32xf32>,
    %get3A_22 = arith.constant 0 : index
    %get3A_23 = arith.constant 0 : index
    %get3A_24 = vector.load %arg3[%get3A_22, %get3A_23] : memref<16x3200xf32, #tpu.memory_space<vmem>>, vector<16x3200xf32>
    %dot_general3A_25 = arith.constant dense<0.000000e+00> : vector<3200x32xf32>
    %dot_general3A_26 = tpu.matmul %get3A_24, %get3A_1, %dot_general3A_25 {dimension_numbers = #tpu.dot_dimension_numbers<[0], [0], [1], [1], [0, 1, 1, 1], [], []>, transpose_lhs_hint = false} : vector<16x3200xf32>, vector<16x32xf32>, vector<3200x32xf32> -> vector<3200x32xf32>
    %add3A_27 = vector.broadcast %get3A_4 : vector<1x32xf32> to vector<3200x32xf32>
    %add3A_28 = arith.addf %dot_general3A_26, %add3A_27 : vector<3200x32xf32>
    %swap3A_29 = arith.constant 0 : index
    %swap3A_30 = arith.constant 64 : index
    %swap3A_31 = vector.load %arg7[%swap3A_29, %swap3A_30] : memref<3200x128xf32, #tpu.memory_space<vmem>>, vector<3200x32xf32>
    tpu.vector_store %arg7[%swap3A_29, %swap3A_30], %add3A_28 {strides = array<i32>} : memref<3200x128xf32, #tpu.memory_space<vmem>>, vector<3200x32xf32>,
    %get3A_32 = arith.constant 0 : index
    %get3A_33 = arith.constant 0 : index
    %get3A_34 = vector.load %arg4[%get3A_32, %get3A_33] : memref<16x3200xf32, #tpu.memory_space<vmem>>, vector<16x3200xf32>
    %dot_general3A_35 = arith.constant dense<0.000000e+00> : vector<3200x32xf32>
    %dot_general3A_36 = tpu.matmul %get3A_34, %get3A_1, %dot_general3A_35 {dimension_numbers = #tpu.dot_dimension_numbers<[0], [0], [1], [1], [0, 1, 1, 1], [], []>, transpose_lhs_hint = false} : vector<16x3200xf32>, vector<16x32xf32>, vector<3200x32xf32> -> vector<3200x32xf32>
    %add3A_37 = vector.broadcast %get3A_4 : vector<1x32xf32> to vector<3200x32xf32>
    %add3A_38 = arith.addf %dot_general3A_36, %add3A_37 : vector<3200x32xf32>
    %swap3A_39 = arith.constant 0 : index
    %swap3A_40 = arith.constant 96 : index
    %swap3A_41 = vector.load %arg7[%swap3A_39, %swap3A_40] : memref<3200x128xf32, #tpu.memory_space<vmem>>, vector<3200x32xf32>
    tpu.vector_store %arg7[%swap3A_39, %swap3A_40], %add3A_38 {strides = array<i32>} : memref<3200x128xf32, #tpu.memory_space<vmem>>, vector<3200x32xf32>,
    return
  }
  func.func @transform_0(%arg0: i32) -> (i32, i32) {
    %add3A = arith.constant 0 : i32
    %add3A_0 = arith.addi %add3A, %arg0 : i32
    %c0_i32 = arith.constant 0 : i32
    %c0_i32_1 = arith.constant 0 : i32
    return %c0_i32, %add3A_0 : i32, i32
  }
  func.func @transform_1(%arg0: i32) -> (i32, i32) {
    %add3A = arith.constant 25 : i32
    %add3A_0 = arith.addi %add3A, %arg0 : i32
    %c0_i32 = arith.constant 0 : i32
    %c0_i32_1 = arith.constant 0 : i32
    return %c0_i32, %add3A_0 : i32, i32
  }
  func.func @transform_2(%arg0: i32) -> (i32, i32) {
    %add3A = arith.constant 50 : i32
    %add3A_0 = arith.addi %add3A, %arg0 : i32
    %c0_i32 = arith.constant 0 : i32
    %c0_i32_1 = arith.constant 0 : i32
    return %c0_i32, %add3A_0 : i32, i32
  }
  func.func @transform_3(%arg0: i32) -> (i32, i32) {
    %add3A = arith.constant 75 : i32
    %add3A_0 = arith.addi %add3A, %arg0 : i32
    %c0_i32 = arith.constant 0 : i32
    %c0_i32_1 = arith.constant 0 : i32
    return %c0_i32, %add3A_0 : i32, i32
  }
  func.func @transform_4(%arg0: i32) -> (i32, i32) {
    %c0_i32 = arith.constant 0 : i32
    %c0_i32_0 = arith.constant 0 : i32
    %c0_i32_1 = arith.constant 0 : i32
    return %c0_i32, %c0_i32_0 : i32, i32
  }
  func.func @transform_5(%arg0: i32) -> (i32, i32) {
    %c0_i32 = arith.constant 0 : i32
    %c0_i32_0 = arith.constant 0 : i32
    %c0_i32_1 = arith.constant 0 : i32
    return %c0_i32, %c0_i32_0 : i32, i32
  }
  func.func @transform_6(%arg0: i32) -> (i32, i32) {
    %c0_i32 = arith.constant 0 : i32
    %c0_i32_0 = arith.constant 0 : i32
    return %arg0, %c0_i32 : i32, i32
  }
}

module attributes {stable_mosaic.version = 14 : i64} {
  func.func @body(%arg0: memref<10000x128xf32, #tpu.memory_space<vmem>>, %arg1: memref<128x32xf32, #tpu.memory_space<vmem>>, %arg2: memref<128x32xf32, #tpu.memory_space<vmem>>, %arg3: memref<10000x32xf32, #tpu.memory_space<vmem>>, %arg4: memref<10000x32xf32, #tpu.memory_space<vmem>>) attributes {dimension_semantics = [], scalar_prefetch = 0 : i64, scratch_operands = 0 : i64, tpu.core_type = #tpu.core_type<tc>} {
    %get3A = arith.constant 0 : index
    %get3A_0 = arith.constant 0 : index
    %get3A_1 = vector.load %arg0[%get3A, %get3A_0] : memref<10000x128xf32, #tpu.memory_space<vmem>>, vector<10000x128xf32>
    %get3A_2 = arith.constant 0 : index
    %get3A_3 = arith.constant 0 : index
    %get3A_4 = vector.load %arg1[%get3A_2, %get3A_3] : memref<128x32xf32, #tpu.memory_space<vmem>>, vector<128x32xf32>
    %dot_general3A = arith.constant dense<0.000000e+00> : vector<10000x32xf32>
    %dot_general3A_5 = tpu.matmul %get3A_1, %get3A_4, %dot_general3A {dimension_numbers = #tpu.dot_dimension_numbers<[1], [0], [0], [1], [0, 0, 1, 1], [], []>, transpose_lhs_hint = false} : vector<10000x128xf32>, vector<128x32xf32>, vector<10000x32xf32> -> vector<10000x32xf32>
    %swap3A = arith.constant 0 : index
    %swap3A_6 = arith.constant 0 : index
    %swap3A_7 = vector.load %arg3[%swap3A, %swap3A_6] : memref<10000x32xf32, #tpu.memory_space<vmem>>, vector<10000x32xf32>
    tpu.vector_store %arg3[%swap3A, %swap3A_6], %dot_general3A_5 {strides = array<i32>} : memref<10000x32xf32, #tpu.memory_space<vmem>>, vector<10000x32xf32>,
    %get3A_8 = arith.constant 0 : index
    %get3A_9 = arith.constant 0 : index
    %get3A_10 = vector.load %arg2[%get3A_8, %get3A_9] : memref<128x32xf32, #tpu.memory_space<vmem>>, vector<128x32xf32>
    %dot_general3A_11 = arith.constant dense<0.000000e+00> : vector<10000x32xf32>
    %dot_general3A_12 = tpu.matmul %get3A_1, %get3A_10, %dot_general3A_11 {dimension_numbers = #tpu.dot_dimension_numbers<[1], [0], [0], [1], [0, 0, 1, 1], [], []>, transpose_lhs_hint = false} : vector<10000x128xf32>, vector<128x32xf32>, vector<10000x32xf32> -> vector<10000x32xf32>
    %swap3A_13 = arith.constant 0 : index
    %swap3A_14 = arith.constant 0 : index
    %swap3A_15 = vector.load %arg4[%swap3A_13, %swap3A_14] : memref<10000x32xf32, #tpu.memory_space<vmem>>, vector<10000x32xf32>
    tpu.vector_store %arg4[%swap3A_13, %swap3A_14], %dot_general3A_12 {strides = array<i32>} : memref<10000x32xf32, #tpu.memory_space<vmem>>, vector<10000x32xf32>,
    return
  }
}

module attributes {stable_mosaic.version = 14 : i64} {
  func.func @body(%arg0: memref<2x10240x32xf32, #tpu.memory_space<vmem>>, %arg1: memref<2x10240x1xf32, #tpu.memory_space<vmem>>, %arg2: memref<32x32xf32, #tpu.memory_space<vmem>>, %arg3: memref<1x32xf32, #tpu.memory_space<vmem>>, %arg4: memref<10000x32xf32, #tpu.memory_space<vmem>>) attributes {dimension_semantics = [], scalar_prefetch = 0 : i64, scratch_operands = 0 : i64, tpu.core_type = #tpu.core_type<tc>} {
    %get3A = arith.constant 0 : index
    %get3A_0 = arith.constant 0 : index
    %get3A_1 = arith.constant 0 : index
    %get3A_2 = vector.load %arg0[%get3A, %get3A_0, %get3A_1] : memref<2x10240x32xf32, #tpu.memory_space<vmem>>, vector<1x10240x32xf32>
    %get3A_3 = vector.shape_cast %get3A_2 : vector<1x10240x32xf32> to vector<10240x32xf32>
    %get3A_4 = arith.constant 1 : index
    %get3A_5 = arith.constant 0 : index
    %get3A_6 = arith.constant 0 : index
    %get3A_7 = vector.load %arg0[%get3A_4, %get3A_5, %get3A_6] : memref<2x10240x32xf32, #tpu.memory_space<vmem>>, vector<1x10240x32xf32>
    %get3A_8 = vector.shape_cast %get3A_7 : vector<1x10240x32xf32> to vector<10240x32xf32>
    %add3A = arith.addf %get3A_3, %get3A_8 : vector<10240x32xf32>
    %get3A_9 = arith.constant 0 : index
    %get3A_10 = arith.constant 0 : index
    %get3A_11 = arith.constant 0 : index
    %get3A_12 = vector.load %arg1[%get3A_9, %get3A_10, %get3A_11] : memref<2x10240x1xf32, #tpu.memory_space<vmem>>, vector<1x10240x1xf32>
    %get3A_13 = vector.shape_cast %get3A_12 : vector<1x10240x1xf32> to vector<10240x1xf32>
    %get3A_14 = arith.constant 1 : index
    %get3A_15 = arith.constant 0 : index
    %get3A_16 = arith.constant 0 : index
    %get3A_17 = vector.load %arg1[%get3A_14, %get3A_15, %get3A_16] : memref<2x10240x1xf32, #tpu.memory_space<vmem>>, vector<1x10240x1xf32>
    %get3A_18 = vector.shape_cast %get3A_17 : vector<1x10240x1xf32> to vector<10240x1xf32>
    %add3A_19 = arith.addf %get3A_13, %get3A_18 : vector<10240x1xf32>
    %slice3A = vector.extract_strided_slice %add3A {offsets = [0, 0], sizes = [10000, 32], strides = [1, 1]} : vector<10240x32xf32> to vector<10000x32xf32>
    %get3A_20 = arith.constant 0 : index
    %get3A_21 = arith.constant 0 : index
    %get3A_22 = vector.load %arg2[%get3A_20, %get3A_21] : memref<32x32xf32, #tpu.memory_space<vmem>>, vector<32x32xf32>
    %dot_general3A = arith.constant dense<0.000000e+00> : vector<10000x32xf32>
    %dot_general3A_23 = tpu.matmul %slice3A, %get3A_22, %dot_general3A {dimension_numbers = #tpu.dot_dimension_numbers<[1], [0], [0], [1], [0, 0, 1, 1], [], []>, transpose_lhs_hint = false} : vector<10000x32xf32>, vector<32x32xf32>, vector<10000x32xf32> -> vector<10000x32xf32>
    %slice3A_24 = vector.extract_strided_slice %add3A_19 {offsets = [0, 0], sizes = [10000, 1], strides = [1, 1]} : vector<10240x1xf32> to vector<10000x1xf32>
    %get3A_25 = arith.constant 0 : index
    %get3A_26 = arith.constant 0 : index
    %get3A_27 = vector.load %arg3[%get3A_25, %get3A_26] : memref<1x32xf32, #tpu.memory_space<vmem>>, vector<1x32xf32>
    %mul3A = vector.broadcast %slice3A_24 : vector<10000x1xf32> to vector<10000x32xf32>
    %mul3A_28 = vector.broadcast %get3A_27 : vector<1x32xf32> to vector<10000x32xf32>
    %mul3A_29 = arith.mulf %mul3A, %mul3A_28 : vector<10000x32xf32>
    %add3A_30 = arith.addf %dot_general3A_23, %mul3A_29 : vector<10000x32xf32>
    %swap3A = arith.constant 0 : index
    %swap3A_31 = arith.constant 0 : index
    %swap3A_32 = vector.load %arg4[%swap3A, %swap3A_31] : memref<10000x32xf32, #tpu.memory_space<vmem>>, vector<10000x32xf32>
    tpu.vector_store %arg4[%swap3A, %swap3A_31], %add3A_30 {strides = array<i32>} : memref<10000x32xf32, #tpu.memory_space<vmem>>, vector<10000x32xf32>,
    return
  }
}

</mosaic_0001>

<sc_bundles>
// kernel: kernel.6.cloned.1.call-start
scs
__scs_entry_jumppad:
0x0: {  	(pc) =	sbr.rel $0x88, $3  }
0x1: {  	(tag) =	ssettag $0x0;
	lr =	simm.s32 $0x1  }
0x2: {  	[smem:$0x3F9A] =	sst lr;
	_ =	strace $0xD0000000  }
0x3: {  	_ = 	snop  }
0x4: {  	_ = 	snop  }
0x5: {  	_ = 	snop  }
0x6: {  	_ = 	snop  }
0x7: {  	_ = 	snop  }
__scs_overlays_trampoline_lowered:
0x8: {  	[smem:$0x3FA9] =	sst s0  }
0x9: {  	[smem:$0x3FAA] =	sst s1  }
0xa: {  	[smem:$0x3FAB] =	sst s2  }
0xb: {  	[smem:$0x3FAC] =	sst s3  }
0xc: {  	[smem:$0x3FAD] =	sst s4  }
0xd: {  	[smem:$0x3FAE] =	sst s5  }
0xe: {  	[smem:$0x3FAF] =	sst s6  }
0xf: {  	[smem:$0x3FB0] =	sst s7  }
0x10: {  	[smem:$0x3FB1] =	sst s8  }
0x11: {  	[smem:$0x3FB2] =	sst s9;
	s0 =	simm.s32 @!p0 $0x0  }
0x12: {  	s1 =	sld [smem:$0x3F98];
	s0 =	simm.s32 @p0 $0x1  }
0x13: {  	[smem:$0x3FB3] =	sst s0;
	s0 =	simm.s32 @!p1 $0x0  }
0x14: {  	s2 =	sld [smem:$0x3F97];
	s0 =	simm.s32 @p1 $0x1  }
0x15: {  	[smem:$0x3FB4] =	sst s0;
	s0 =	simm.s32 @!p2 $0x0  }
0x16: {  	s3 =	sld [smem:$0x3FDB];
	s0 =	simm.s32 @p2 $0x1  }
0x17: {  	s4 =	simm.s32 $0x1BF5;
	[smem:$0x3FB6] =	sst s0  }
0x18: {  	s0 =	sld [smem:$0x3F99];
	_ =	swait.ge [sflag:s4], $0x0  }
0x19: {  	s7 =	sld [smem:$0x3F9A]  }
0x1a: {  	s8 =	sadd.s32 $0xFFFFE003, lr  }
0x1b: {  	s9 =	sadd.s32 $0xFFFFFEF7, lr;
	s5 =	simm.s32 $0xFFFFFFFF;
	p2 =	slt.u32 s8, $0xFFFFF086  }
0x1c: {  	p1 =	slt.u32 s9, $0xF7A;
	s5 =	simm.s32 @!p2 $0x0  }
0x1d: {  	s5 =	simm.s32 @p1 $0x1;
	p0 =	seq.s32 s7, s2  }
0x1e: {  	s7 =	smul.u32 @!p0 $0xF7A, s2;
	p2 =	seq.s32 @!p0 s5, $0x0  }
0x1f: {  	s9 =	smul.u32 $0xF7A, s1;
	s8 =	simm.s32 @!p0 $0x1BF5;
	p2 =	por !p2, p0  }
0x20: {  	[sflag:s8] =	ssyncset.s32 @!p0 $0xFFFFF086;
	s6 =	sadd.s32 @!p0 s3, s7;
	s7 =	simm.s32 @!p0 $0x108  }
0x21: {  	s3 =	sadd.s32 s3, s9;
	s6 =	sadd.s32 @!p0 $0x88, s6;
	s7 =	simm.s32 @p2 $0x1082  }
0x22: {  	[simem:s7], [sflag:s8] =	dma.local @!p0 [hbm:s6], $0xF7A  }
0x23: {  	s9 =	sor.u32 $0xD0000000, s2;
	s6 =	simm.s32 $0x108;
	_ =	swait.ge @!p0 [sflag:s8], $0x0  }
0x24: {  	s3 =	sadd.s32 $0x88, s3;
	s6 =	simm.s32 @!p1 $0x1082;
	[sflag:s4] =	ssyncset.s32 $0xFFFFF086  }
0x25: {  	[simem:s6], [sflag:s4] =	dma.local [hbm:s3], $0xF7A  }
0x26: {  	[smem:$0x3F9A] =	sst s1;
	(tag) =	ssettag s2;
	_ =	strace s9  }
0x27: {  	s1 =	sld [smem:$0x3FAA]  }
0x28: {  	s2 =	sld [smem:$0x3FAB]  }
0x29: {  	s4 =	sld [smem:$0x3FAD]  }
0x2a: {  	p0 =	seq.s32 s5, $0x0;
	s5 =	sld [smem:$0x3FAE]  }
0x2b: {  	s6 =	sld [smem:$0x3FAF]  }
0x2c: {  	s7 =	sld [smem:$0x3FB0]  }
0x2d: {  	s3 =	simm.s32 $0x108;
	s8 =	sld [smem:$0x3FB1]  }
0x2e: {  	s3 =	simm.s32 @!p0 $0x1082;
	s9 =	sld [smem:$0x3FB2]  }
0x2f: {  	lr =	sadd.s32 s0, s3;
	s0 =	sld [smem:$0x3FA9]  }
0x30: {  	s3 =	sld [smem:$0x3FAC]  }
0x31: {  	[smem:$0x3FB5] =	sst s10  }
0x32: {  	s10 =	sld [smem:$0x3FB3];
	_ =	sdelay $0x3  }
0x33: {  	p0 =	seq.s32 s10, $0x1;
	s10 =	sld [smem:$0x3FB5];
	_ =	sdelay $0x3  }
0x34: {  	[smem:$0x3FB5] =	sst s10  }
0x35: {  	s10 =	sld [smem:$0x3FB4];
	_ =	sdelay $0x3  }
0x36: {  	p1 =	seq.s32 s10, $0x1;
	s10 =	sld [smem:$0x3FB5];
	_ =	sdelay $0x3  }
0x37: {  	[smem:$0x3FB5] =	sst s10  }
0x38: {  	s10 =	sld [smem:$0x3FB6]  }
0x39: {  	_ = 	snop;
	(pc) =	sbr.ind lr, $3  }
0x3a: {  	_ = 	snop  }
0x3b: {  	_ = 	snop  }
0x3c: {  	p2 =	seq.s32 s10, $0x1;
	s10 =	sld [smem:$0x3FB5]  }
0x3d: {  	_ =	shalt  }
0x3e: {  	_ =	shalt  }
0x3f: {  	_ =	shalt  }
0x40: {  	_ =	shalt  }
0x41: {  	_ =	shalt  }
0x42: {  	_ =	shalt  }
0x43: {  	_ =	shalt  }
0x44: {  	_ =	shalt  }
0x45: {  	_ =	shalt  }
0x46: {  	_ =	shalt  }
0x47: {  	_ =	shalt  }
0x48: {  	_ =	shalt  }
0x49: {  	_ =	shalt  }
0x4a: {  	_ =	shalt  }
0x4b: {  	_ =	shalt  }
0x4c: {  	_ =	shalt  }
0x4d: {  	_ =	shalt  }
0x4e: {  	_ =	shalt  }
0x4f: {  	_ =	shalt  }
0x50: {  	_ =	shalt  }
0x51: {  	_ =	shalt  }
0x52: {  	_ =	shalt  }
0x53: {  	_ =	shalt  }
0x54: {  	_ =	shalt  }
0x55: {  	_ =	shalt  }
0x56: {  	_ =	shalt  }
0x57: {  	_ =	shalt  }
0x58: {  	_ =	shalt  }
0x59: {  	_ =	shalt  }
0x5a: {  	_ =	shalt  }
0x5b: {  	_ =	shalt  }
0x5c: {  	_ =	shalt  }
0x5d: {  	_ =	shalt  }
0x5e: {  	_ =	shalt  }
0x5f: {  	_ =	shalt  }
0x60: {  	_ =	shalt  }
0x61: {  	_ =	shalt  }
0x62: {  	_ =	shalt  }
0x63: {  	_ =	shalt  }
0x64: {  	_ =	shalt  }
0x65: {  	_ =	shalt  }
0x66: {  	_ =	shalt  }
0x67: {  	_ =	shalt  }
0x68: {  	_ =	shalt  }
0x69: {  	_ =	shalt  }
0x6a: {  	_ =	shalt  }
0x6b: {  	_ =	shalt  }
0x6c: {  	_ =	shalt  }
0x6d: {  	_ =	shalt  }
0x6e: {  	_ =	shalt  }
0x6f: {  	_ =	shalt  }
0x70: {  	_ =	shalt  }
0x71: {  	_ =	shalt  }
0x72: {  	_ =	shalt  }
0x73: {  	_ =	shalt  }
0x74: {  	_ =	shalt  }
0x75: {  	_ =	shalt  }
0x76: {  	_ =	shalt  }
0x77: {  	_ =	shalt  }
0x78: {  	_ =	shalt  }
0x79: {  	_ =	shalt  }
0x7a: {  	_ =	shalt  }
0x7b: {  	_ =	shalt  }
0x7c: {  	_ =	shalt  }
0x7d: {  	_ =	shalt  }
0x7e: {  	_ =	shalt  }
0x7f: {  	_ =	shalt  }
0x80: {  	_ =	shalt  }
0x81: {  	_ =	shalt  }
0x82: {  	_ =	shalt  }
0x83: {  	_ =	shalt  }
0x84: {  	_ =	shalt  }
0x85: {  	_ =	shalt  }
0x86: {  	_ =	shalt  }
0x87: {  	_ =	shalt  }
.Lfunc_end0:
.L_simem_size_0:
called_computation_lowered:
.L_overlay_start_0:
0x88: {  	s2 =	sld [smem:$0x3FD9]  }
0x89: {  	s3 =	sld [smem:$0x3FFE];
	_ =	sdelay $0x1  }
0x8a: {  	s1 =	srdreg.scid  }
0x8b: {  	s0 =	sand.u32 $0x1, s1  }
0x8c: {  	s17 =	sshll.u32 s0, $0xA;
	s2 =	sadd.s32 s3, s2  }
0x8d: {  	s2 =	sadd.s32 s2, s17  }
0x8e: {  	[smem:$0x3FC1] =	sst s2  }
0x8f: {  	_ = 	snop  }
0x90: {  	s2 =	sld [smem:$0x3FD0];
	(tm) =	ssettm $0x1  }
0x91: {  	s18 =	sld [smem:$0x3FFB];
	_ =	sdelay $0x3  }
0x92: {  	_ =	strace s18  }
0x93: {  	s3 =	sld [smem:$0x3FFC];
	_ =	sdelay $0x3  }
0x94: {  	_ =	strace s3  }
0x95: {  	s3 =	sld [smem:$0x3FFD];
	_ =	sdelay $0x3  }
0x96: {  	_ =	strace s3  }
0x97: {  	_ =	strace $0x8FFFFFFF  }
0x98: {  	s19 =	sld [smem:$0x3FDB];
	_ =	sdelay $0x1  }
0x99: {  	s4 =	simm.s32 $_scs_section_size  }
0x9a: {  	s5 =	simm.s32 $_size__tile_overlayer_lowered;
	s6 =	simm.s32 $_tile_overlayer_lowered  }
0x9b: {  	s22 =	simm.s32 $0x1BFF;
	s21 =	sshll.u32 s6, $0x1;
	s3 =	sadd.s32 s4, s19  }
0x9c: {  	s7 =	simm.s32 $0x0;
	s20 =	sshll.u32 s5, $0x1;
	s5 =	sadd.s32 s21, s3  }
0x9d: {  	[timem:s7], [sflag:s22] =	dma.local [hbm:s5], s20  }
0x9e: {  	_ =	swait.ge [sflag:s22], s20  }
0x9f: {  	s4 =	ssub.s32 $0x0, s20;
	[sflag:s22] =	ssyncset.done $0x0  }
0xa0: {  	[sflag:s22] =	ssyncadd.s32 s4;
	_ =	sdelay $0x1  }
0xa1: {  	s23 =	simm.s32 $0x1B8B  }
0xa2: {  	_ =	swait.ge [sflag:s23], $0x1  }
0xa3: {  	[sflag:s23] =	ssyncset.done $0x0  }
0xa4: {  	s25 =	simm.s32 $0x1B8E;
	s24 =	sld [smem:$0x3FFE];
	[sflag:s23] =	ssyncadd.s32 $0xFFFFFFFF  }
0xa5: {  	s26 =	simm.s32 $execute0_lowered;
	[smem:$0x3FD2] =	sst s25  }
0xa6: {  	s5 =	sshll.u32 s26, $0x1;
	_ =	strace $0x80000046;
	[dreg:$0x1] =	wrdreg $0xFFFFFFFF  }
0xa7: {  	s28 =	simm.s32 $_size_execute0_lowered;
	s3 =	sadd.s32 s3, s5;
	[dreg:$0x0] =	wrdreg $0x0  }
0xa8: {  	s5 =	sshll.u32 s28, $0x1;
	[dreg:$0x2] =	wrdreg s3  }
0xa9: {  	[dreg:$0x3] =	wrdreg s5  }
0xaa: {  	[dreg:$0x4] =	wrdreg $0xC0  }
0xab: {  	_ =	task [dreg:s7], $0x5FFFF  }
0xac: {  	[dreg:$0x1] =	wrdreg $0xFFFFFFFF  }
0xad: {  	[dreg:$0x0] =	wrdreg $0x60  }
0xae: {  	[dreg:$0x2] =	wrdreg s24  }
0xaf: {  	[dreg:$0x3] =	wrdreg s2  }
0xb0: {  	[dreg:$0x4] =	wrdreg $0xC8C80  }
0xb1: {  	[dreg:$0x5] =	wrdreg $0x118C80  }
0xb2: {  	[dreg:$0x6] =	wrdreg $0x9  }
0xb3: {  	_ =	task.clear_ibuf [dreg:s7], $0x7FFFF;
	_ =	strace $0x90000046  }
0xb4: {  	s29 =	simm.s32 $0x9;
	_ =	strace $0x80000048  }
0xb5: {  	_ =	swait.ge [sflag:s29], $0x1  }
0xb6: {  	[sflag:s29] =	ssyncadd.s32 $0xFFFFFFFF  }
0xb7: {  	_ =	strace $0x90000048  }
0xb8: {  	_ =	sfence  }
0xb9: {  	s30 =	sld [smem:$0x0];
	_ =	sdelay $0x2  }
0xba: {  	s31 =	sshll.u32 s1, $0xD;
	s1 =	sshrl.u32 s1, $0x2  }
0xbb: {  	s3 =	sand.u32 $0x4000, s31;
	s1 =	sadd.s32 s1, s30  }
0xbc: {  	s0 =	sor.u32 s3, s0;
	s1 =	sshll.u32 s1, $0x11  }
0xbd: {  	s0 =	sor.u32 s1, s0  }
0xbe: {  	s0 =	sadd.s32 $0x8F2B, s0  }
0xbf: {  	[sflag:s0] =	ssyncadd.remote.s32 $0x1  }
0xc0: {  	_ =	sfence.sel $0xFFFF  }
0xc1: {  	[dreg:$0x0] =	wrdreg $0xFFFFFFFF;
	(pc) =	sbr.abs _section_cstart, $3  }
0xc2: {  	[dreg:$0x1] =	wrdreg $0xFFFFFFFF  }
0xc3: {  	_ =	task.clear_ibuf [dreg:s7], $0x2FFFF;
	_ =	strace $0x9FFFFFFF  }
0xc4: {  	(tm) =	ssettm $0x7FFFFFFF  }
0xc5: {  	_ =	shalt  }
tec
execute0_lowered:
.L_overlay_start_1:
0x0: {  	(tag) =	ssettag $0x1  }
0x1: {  	s0 =	rddreg [dreg:$0x0]  }
0x2: {  	s1 =	rddreg [dreg:$0x1]  }
0x3: {  	s3 =	srdreg.scid;
	s2 =	rddreg [dreg:$0x2]  }
0x4: {  	s15 =	stileid.u32;
	s18 =	simm.s32 $0x0;
	s16 =	simm.s32 $0x1  }
0x5: {  	s19 =	simm.s32 $0x7;
	s23 =	simm.s32 $0x28;
	s28 =	simm.s32 $0x80  }
0x6: {  	s21 =	simm.s32 $0x3;
	s22 =	simm.s32 $0x5;
	s24 =	simm.s32 $0x6C20  }
0x7: {  	s4 =	sand.u32 $0x1, s3;
	s3 =	rddreg [dreg:$0x3];
	s10 =	smul.u32 $0x5000, s15  }
0x8: {  	s29 =	simm.s32 $0x2;
	[smem:$0x7FF] =	sst s18;
	s13 =	smul.u32 $0x280, s15  }
0x9: {  	s6 =	sadd.s32 $0x14C00, s0;
	s7 =	sadd.s32 $0x1EA00, s0;
	s12 =	smul.u32 $0x50000, s4  }
0xa: {  	s5 =	sshll.u32 s4, $0x4;
	_ =	strace $0x80000047;
	s14 =	smul.u32 $0x2800, s4  }
0xb: {  	s4 =	ssub.s32 $0x2, s4;
	s8 =	sor.u32 s15, s5;
	s5 =	sadd.s32 $0xAE00, s0  }
0xc: {  	s15 =	sand.u32 $0x7, s15;
	s17 =	sshrl.u32 s4, $0x1;
	s9 =	smul.u32 $0x4E2, s8  }
0xd: {  	s12 =	sadd.s32 s10, s12;
	p0 =	seq.s32 s8, $0x0;
	p1 =	sne.s32 s15, $0x0  }
0xe: {  	s14 =	sadd.s32 s13, s14;
	s8 =	sshrl.u32 s8, $0x3;
	s25 =	smul.u32 $0x138800, s15  }
0xf: {  	s4 =	ssub.s32 s4, s17;
	s17 =	sadd.s32 s13, s3;
	s13 =	simm.s32 $0x1  }
0x10: {  	s12 =	sshrl.u32 s12, $0x3;
	p0 =	por !p1, !p0;
	s14 =	sshrl.u32 s14, $0x3  }
0x11: {  	s31 =	smax.u32 s4, $0x1;
	[dreg:$0x9] =	wrdreg s17;
	s11 =	sadd.s32 s9, s0  }
0x12: {  	s12 =	sadd.s32 s12, s0;
	p0 =	por !p0, !p0;
	s0 =	sadd.s32 s14, s0  }
0x13: {  	s1 =	sadd.s32 s1, s9;
	s14 =	smul.u32 $0x2710, s15;
	[dreg:$0xd] =	wrdreg s31  }
0x14: {  	s9 =	simm.s32 $0x6;
	s16 =	simm.s32 @!p0 $0x0;
	s11 =	sadd.s32 $0x1000, s11  }
0x15: {  	[dreg:$0x7] =	wrdreg s1;
	s30 =	sadd.s32 $0x157200, s12;
	s8 =	ssub.s32 s8, s16  }
0x16: {  	s0 =	sadd.s32 $0x16B200, s0;
	[dreg:$0x6] =	wrdreg s11;
	s8 =	sshll.u32 s8, $0x5  }
0x17: {  	s16 =	sadd.s32 s10, s2;
	[dreg:$0xb] =	wrdreg s30;
	s26 =	sadd.s32 s25, s8  }
0x18: {  	[dreg:$0xc] =	wrdreg s0;
	s10 =	simm.s32 $0x7120;
	s1 =	sshrl.u32 s26, $0x3  }
0x19: {  	[dreg:$0x8] =	wrdreg s16;
	s25 =	simm.s32 $0x7620;
	s1 =	sadd.s32 s7, s1  }
0x1a: {  	v0 =	vimm.f32 $0.0e+00;
	v1 =	vimm.f32 $1.000000000e+00;
	s26 =	simm.s32 $0x20;
	[dreg:$0xa] =	wrdreg s1;
	s1 =	simm.s32 $0x4  }
.LBB2_1:
0x1b: {  	[dreg:$0x5] =	wrdreg s18;
	s0 =	simm.s32 $0x80;
	s4 =	simm.s32 $0x0  }
.LBB2_2:
0x1c: {  	p0 =	sne.s32 s0, $0x13F80;
	[tilespmem:s4+$0x7648] =	vst v0;
	s11 =	smov.u32 s0;
	s0 =	sadd.s32 $0x80, s0  }
.Ltmp0:
0x1d: {  	[tilespmem:s4+$0x7658] =	vst v0;
	(pc) =	sbr.rel @p0 .LBB2_2-.Ltmp0, $2  }
0x1e: {  	_ =	sdelay $0x2  }
0x1f: {  	s4 =	sshra.s32 s11, $0x2  }
0x20: {  	[tilespmem:s4+$0x7648] =	vst v0  }
0x21: {  	[tilespmem:s4+$0x7658] =	vst v0  }
0x22: {  	[tilespmem:$0xC648] =	vst v0  }
0x23: {  	[tilespmem:$0xC658] =	vst v0  }
0x24: {  	[tilespmem:$0xC668] =	vst v0  }
0x25: {  	[tilespmem:$0xC678] =	vst v0  }
0x26: {  	[tilespmem:$0xC688] =	vst v0  }
0x27: {  	[tilespmem:$0xC698] =	vst v0  }
0x28: {  	[tilespmem:$0xC6A8] =	vst v0  }
0x29: {  	[tilespmem:$0xC6B8] =	vst v0  }
0x2a: {  	[tilespmem:$0xC6C8] =	vst v0  }
0x2b: {  	[tilespmem:$0xC6D8] =	vst v0  }
0x2c: {  	[tilespmem:$0xC6E8] =	vst v0  }
0x2d: {  	[tilespmem:$0xC6F8] =	vst v0  }
0x2e: {  	[tilespmem:$0xC708] =	vst v0  }
0x2f: {  	[tilespmem:$0xC718] =	vst v0  }
0x30: {  	[tilespmem:$0xC728] =	vst v0  }
0x31: {  	[tilespmem:$0xC738] =	vst v0  }
0x32: {  	[tilespmem:$0xC748] =	vst v0  }
0x33: {  	[tilespmem:$0xC758] =	vst v0  }
0x34: {  	[tilespmem:$0xC768] =	vst v0  }
0x35: {  	[tilespmem:$0xC778] =	vst v0  }
0x36: {  	[tilespmem:$0xC788] =	vst v0  }
0x37: {  	[tilespmem:$0xC798] =	vst v0  }
0x38: {  	[tilespmem:$0xC7A8] =	vst v0  }
0x39: {  	[tilespmem:$0xC7B8] =	vst v0  }
0x3a: {  	[tilespmem:$0xC7C8] =	vst v0  }
0x3b: {  	[tilespmem:$0xC7D8] =	vst v0  }
0x3c: {  	[tilespmem:$0xC7E8] =	vst v0  }
0x3d: {  	[tilespmem:$0xC7F8] =	vst v0  }
0x3e: {  	[tilespmem:$0xC808] =	vst v0  }
0x3f: {  	[tilespmem:$0xC818] =	vst v0  }
0x40: {  	[tilespmem:$0xC828] =	vst v0  }
0x41: {  	[tilespmem:$0xC838] =	vst v0  }
0x42: {  	[tilespmem:$0xC848] =	vst v0  }
0x43: {  	[tilespmem:$0xC858] =	vst v0  }
0x44: {  	[tilespmem:$0xC868] =	vst v0  }
0x45: {  	[tilespmem:$0xC878] =	vst v0  }
0x46: {  	[tilespmem:$0xC888] =	vst v0  }
0x47: {  	[tilespmem:$0xC898] =	vst v0  }
0x48: {  	[tilespmem:$0xC8A8] =	vst v0  }
0x49: {  	[tilespmem:$0xC8B8] =	vst v0  }
0x4a: {  	[tilespmem:$0x7620] =	vst v1  }
0x4b: {  	s20 =	simm.s32 $0x0;
	s0 =	rddreg [dreg:$0x6];
	[tilespmem:$0x7630] =	vst v1  }
0x4c: {  	[tilespmem:s20], [sflag:$0x7] =	stream.linear.gather [hbm4b:s0+s20], $0x2710, $0x38;
	[tilespmem:$0x11B48] =	vst v63  }
0x4d: {  	_ =	swait.ge [sflag:s19], $0x2710  }
0x4e: {  	[sflag:s19] =	ssyncset.done $0x0  }
0x4f: {  	s12 =	simm.s32 $0x2710;
	s11 =	rddreg [dreg:$0x7];
	[sflag:s19] =	ssyncadd.s32 $0xFFFFD8F0  }
0x50: {  	[tilespmem:s12], [sflag:$0x7] =	stream.linear.gather [hbm4b:s11+s20], $0x2710, $0x38;
	[tilespmem:$0x11B48] =	vst v63  }
0x51: {  	_ =	swait.ge [sflag:s19], $0x2710  }
0x52: {  	[sflag:s19] =	ssyncset.done $0x0  }
0x53: {  	s15 =	simm.s32 $0x7648;
	[sflag:s19] =	ssyncadd.s32 $0xFFFFD8F0  }
0x54: {  	[spmem:s16] =	stream.linear.scatter [tilespmem:s15], [sflag:$0x7], $0x5000, $0x38;
	[tilespmem:$0x11B48] =	vst v63  }
0x55: {  	_ =	swait.ge [sflag:s19], $0x5000  }
0x56: {  	[sflag:s19] =	ssyncset.done $0x0  }
0x57: {  	s16 =	simm.s32 $0xC648;
	[sflag:s19] =	ssyncadd.s32 $0xFFFFB000  }
0x58: {  	[spmem:s17] =	stream.linear.scatter [tilespmem:s16], [sflag:$0x7], $0x280, $0x38;
	[tilespmem:$0x11B48] =	vst v63  }
0x59: {  	_ =	swait.ge [sflag:s19], $0x280  }
0x5a: {  	[sflag:s19] =	ssyncset.done $0x0  }
0x5b: {  	[sflag:s19] =	ssyncadd.s32 $0xFFFFFD80  }
0x5c: {  	s17 =	simm.s32 $0x4E20;
	[bflag:$0x0] =	sbarrier.arrive $0xFFFF  }
0x5d: {  	[tilespmem:s17], [sflag:$0x1] =	stream.indirect.gather [hbm4b:s5+s23], $0x20, s20, s23, $0xb8;
	[tilespmem:$0x11B48] =	vst v63  }
0x5e: {  	s18 =	simm.s32 $0x5820  }
0x5f: {  	[tilespmem:s18], [sflag:$0x3] =	stream.indirect.gather [hbm4b:s6+s23], $0x20, s12, s23, $0xb8;
	[tilespmem:$0x11B48] =	vst v63  }
0x60: {  	s31 =	simm.s32 $0x6220;
	s30 =	rddreg [dreg:$0xa]  }
0x61: {  	[tilespmem:s31], [sflag:$0x5] =	stream.strided.gather [hbm4b:s30+s26], $0x500, s28, s26, $0x38;
	[tilespmem:$0x11B48] =	vst v63  }
.LBB2_4:
0x62: {  	s16 =	smul.u32 $0x50, s20;
	_ =	sdelay $0x1  }
0x63: {  	s0 =	simm.s32 $0x5320;
	s15 =	sadd.s32 $0x28, s16  }
0x64: {  	[tilespmem:s0], [sflag:$0x2] =	stream.indirect.gather [hbm4b:s5+s23], $0x20, s15, s23, $0xb8;
	[tilespmem:$0x11B48] =	vst v63  }
0x65: {  	s12 =	sadd.s32 s14, s15  }
0x66: {  	s4 =	simm.s32 $0x5D20;
	s11 =	sadd.s32 $0x2738, s16;
	s0 =	sshll.u32 s12, $0x7  }
0x67: {  	[tilespmem:s4], [sflag:$0x4] =	stream.indirect.gather [hbm4b:s6+s23], $0x20, s11, s23, $0xb8;
	[tilespmem:$0x11B48] =	vst v63  }
0x68: {  	s0 =	sadd.s32 s8, s0  }
0x69: {  	s0 =	sshrl.u32 s0, $0x3  }
0x6a: {  	s17 =	simm.s32 $0x6720;
	s0 =	sadd.s32 s7, s0  }
0x6b: {  	[tilespmem:s17], [sflag:$0x6] =	stream.strided.gather [hbm4b:s0+s26], $0x500, s28, s26, $0x38;
	[tilespmem:$0x11B48] =	vst v63  }
0x6c: {  	_ =	swait.ge [sflag:s13], $0x500  }
0x6d: {  	[sflag:s13] =	ssyncset.done $0x0  }
0x6e: {  	[sflag:s13] =	ssyncadd.s32 $0xFFFFFB00  }
0x6f: {  	_ =	swait.ge [sflag:s21], $0x500  }
0x70: {  	[sflag:s21] =	ssyncset.done $0x0  }
0x71: {  	[sflag:s21] =	ssyncadd.s32 $0xFFFFFB00  }
0x72: {  	_ =	swait.ge [sflag:s22], $0x500  }
0x73: {  	[sflag:s22] =	ssyncset.done $0x0  }
0x74: {  	s18 =	simm.s32 $0x4E60;
	[sflag:s22] =	ssyncadd.s32 $0xFFFFFB00  }
0x75: {  	s30 =	simm.s32 $0x5860;
	v2 =	vld [tilespmem:s18+$0x20]  }
0x76: {  	v3 =	vld [tilespmem:s30+$0x20]  }
0x77: {  	s0 =	simm.s32 $0x6260;
	v4 =	vld [tilespmem:s30+$0xFFFFFFC0]  }
0x78: {  	v5 =	vld [tilespmem:s0+$0x20]  }
0x79: {  	v6 =	vld [tilespmem:s18+$0xFFFFFFE0]  }
0x7a: {  	v7 =	vld [tilespmem:s30+$0xFFFFFFE0]  }
0x7b: {  	v8 =	vld [tilespmem:s18+$0xFFFFFFC0]  }
0x7c: {  	v9 =	vld [tilespmem:s18+$0x0]  }
0x7d: {  	s11 =	simm.s32 $0x58E0;
	v10 =	vld [tilespmem:s30+$0x0]  }
0x7e: {  	v11 =	vld [tilespmem:s11+$0x20]  }
0x7f: {  	s12 =	simm.s32 $0x62E0;
	v12 =	vld [tilespmem:s11+$0xFFFFFFC0]  }
0x80: {  	s31 =	simm.s32 $0x4EE0;
	v13 =	vld [tilespmem:s12+$0x20]  }
0x81: {  	v14 =	vld [tilespmem:s31+$0xFFFFFFE0]  }
0x82: {  	v15 =	vld [tilespmem:s11+$0xFFFFFFE0]  }
0x83: {  	v16 =	vld [tilespmem:s31+$0x0]  }
0x84: {  	v17 =	vld [tilespmem:s31+$0xFFFFFFC0]  }
0x85: {  	v2 =	vadd.f32 v3, v2;
	v3 =	vld [tilespmem:s0+$0xFFFFFFC0]  }
0x86: {  	v58 =	vld [tilespmem:s12+$0xFFFFFFC0]  }
0x87: {  	v18 =	vld [tilespmem:s12+$0xFFFFFFE0];
	v2 =	vadd.f32 v5, v2  }
0x88: {  	v4 =	vadd.f32 v4, v8;
	v5 =	vld [tilespmem:s0+$0xFFFFFFE0]  }
0x89: {  	s17 =	simm.s32 $0x6C60;
	v8 =	vld [tilespmem:s0+$0x0];
	v2 =	vmax.f32 v2, $0.0e+00  }
0x8a: {  	[tilespmem:s17+$0x20] =	vst v2;
	v2 =	vadd.f32 v3, v4;
	v4 =	vadd.f32 v10, v9;
	v10 =	vld [tilespmem:s31+$0x20]  }
0x8b: {  	v19 =	vld [tilespmem:s12+$0x0];
	v6 =	vadd.f32 v7, v6  }
0x8c: {  	v3 =	vld [tilespmem:s18+$0x30]  }
0x8d: {  	v7 =	vld [tilespmem:s30+$0x30];
	v5 =	vadd.f32 v5, v6;
	v2 =	vmax.f32 v2, $0.0e+00  }
0x8e: {  	v6 =	vld [tilespmem:s0+$0x30];
	[tilespmem:s17+$0xFFFFFFC0] =	vst v2  }
0x8f: {  	v2 =	vadd.f32 v8, v4;
	v4 =	vmax.f32 v5, $0.0e+00;
	v5 =	vld [tilespmem:s18+$0xFFFFFFD0];
	v10 =	vadd.f32 v11, v10  }
0x90: {  	[tilespmem:s17+$0xFFFFFFE0] =	vst v4;
	v4 =	vld [tilespmem:s30+$0xFFFFFFD0]  }
0x91: {  	v2 =	vmax.f32 v2, $0.0e+00;
	v11 =	vld [tilespmem:s11+$0x0];
	v10 =	vadd.f32 v13, v10  }
0x92: {  	v8 =	vld [tilespmem:s18+$0xFFFFFFF0];
	[tilespmem:s17+$0x0] =	vst v2  }
0x93: {  	v9 =	vld [tilespmem:s18+$0x10];
	s18 =	simm.s32 $0x6CE0;
	v10 =	vmax.f32 v10, $0.0e+00  }
0x94: {  	v2 =	vld [tilespmem:s30+$0xFFFFFFF0];
	[tilespmem:s18+$0x20] =	vst v10  }
0x95: {  	v10 =	vld [tilespmem:s31+$0x30]  }
0x96: {  	v12 =	vadd.f32 v12, v17;
	v59 =	vld [tilespmem:s11+$0x30]  }
0x97: {  	v3 =	vadd.f32 v7, v3;
	v7 =	vld [tilespmem:s0+$0xFFFFFFD0]  }
0x98: {  	v14 =	vadd.f32 v15, v14;
	v12 =	vadd.f32 v58, v12;
	v60 =	vld [tilespmem:s12+$0x30]  }
0x99: {  	v20 =	vld [tilespmem:s30+$0x10]  }
0x9a: {  	v14 =	vadd.f32 v18, v14;
	v12 =	vmax.f32 v12, $0.0e+00;
	v61 =	vld [tilespmem:s0+$0xFFFFFFF0];
	v11 =	vadd.f32 v11, v16  }
0x9b: {  	v62 =	vld [tilespmem:s0+$0x10];
	v6 =	vadd.f32 v6, v3;
	[tilespmem:s18+$0xFFFFFFC0] =	vst v12;
	v10 =	vadd.f32 v59, v10  }
0x9c: {  	v3 =	vld [tilespmem:s31+$0xFFFFFFD0];
	v63 =	vadd.f32 v4, v5;
	v5 =	vmax.f32 v14, $0.0e+00;
	v4 =	vadd.f32 v19, v11  }
0x9d: {  	v6 =	vmax.f32 v6, $0.0e+00;
	v2 =	vadd.f32 v2, v8;
	[tilespmem:s18+$0xFFFFFFE0] =	vst v5;
	v5 =	vld [tilespmem:s11+$0xFFFFFFD0];
	v8 =	vadd.f32 v60, v10  }
0x9e: {  	[tilespmem:s17+$0x30] =	vst v6;
	v6 =	vmax.f32 v4, $0.0e+00;
	v4 =	vld [tilespmem:s31+$0xFFFFFFF0];
	v10 =	vadd.f32 v20, v9;
	v9 =	vadd.f32 v7, v63  }
0x9f: {  	s4 =	simm.s32 $0x4;
	[tilespmem:s18+$0x0] =	vst v6;
	v6 =	vld [tilespmem:s11+$0xFFFFFFF0];
	v7 =	vadd.f32 v61, v2;
	v8 =	vmax.f32 v8, $0.0e+00  }
0xa0: {  	s30 =	simm.s32 $0x4F60;
	s0 =	simm.s32 $0x58E0;
	v2 =	vld [tilespmem:s31+$0x10];
	s31 =	simm.s32 $0x62E0;
	v9 =	vmax.f32 v9, $0.0e+00;
	[tilespmem:s18+$0x30] =	vst v8;
	v8 =	vadd.f32 v62, v10  }
.LBB2_5:
0xa1: {  	v10 =	vld [tilespmem:s30+$0x20];
	s11 =	sadd.s32 $0x80, s11;
	[tilespmem:s17+$0xFFFFFFD0] =	vst v9;
	v7 =	vmax.f32 v7, $0.0e+00  }
0xa2: {  	v9 =	vld [tilespmem:s11+$0x20];
	v11 =	vadd.f32 v5, v3;
	[tilespmem:s17+$0xFFFFFFF0] =	vst v7;
	v3 =	vmax.f32 v8, $0.0e+00  }
0xa3: {  	s4 =	sadd.s32 $0x4, s4;
	s12 =	sadd.s32 $0x80, s12;
	v5 =	vld [tilespmem:s11+$0xFFFFFFC0];
	[tilespmem:s17+$0x10] =	vst v3;
	s17 =	smov.u32 s18  }
0xa4: {  	p0 =	slt.u32 s4, $0x24;
	v3 =	vld [tilespmem:s12+$0x20];
	v7 =	vadd.f32 v6, v4  }
0xa5: {  	v4 =	vld [tilespmem:s30+$0xFFFFFFE0]  }
0xa6: {  	v6 =	vld [tilespmem:s11+$0xFFFFFFE0]  }
0xa7: {  	v8 =	vld [tilespmem:s30+$0x0];
	v9 =	vadd.f32 v9, v10  }
0xa8: {  	v10 =	vld [tilespmem:s11+$0x0]  }
0xa9: {  	v12 =	vld [tilespmem:s30+$0xFFFFFFC0];
	v3 =	vadd.f32 v3, v9  }
0xaa: {  	v9 =	vld [tilespmem:s12+$0xFFFFFFC0]  }
0xab: {  	s18 =	sadd.s32 $0x80, s18;
	v13 =	vld [tilespmem:s12+$0xFFFFFFE0];
	v4 =	vadd.f32 v6, v4;
	v3 =	vmax.f32 v3, $0.0e+00  }
0xac: {  	v6 =	vld [tilespmem:s12+$0x0];
	[tilespmem:s18+$0x20] =	vst v3  }
0xad: {  	v3 =	vadd.f32 v10, v8;
	v8 =	vld [tilespmem:s30+$0x30]  }
0xae: {  	v5 =	vadd.f32 v5, v12;
	v10 =	vld [tilespmem:s11+$0x30]  }
0xaf: {  	v12 =	vld [tilespmem:s0+$0x10];
	s0 =	smov.u32 s11  }
0xb0: {  	v5 =	vadd.f32 v9, v5;
	v4 =	vadd.f32 v13, v4;
	v9 =	vld [tilespmem:s12+$0x30]  }
0xb1: {  	v3 =	vadd.f32 v6, v3;
	v6 =	vld [tilespmem:s31+$0xFFFFFFD0]  }
0xb2: {  	v5 =	vmax.f32 v5, $0.0e+00;
	v4 =	vmax.f32 v4, $0.0e+00;
	v13 =	vld [tilespmem:s31+$0xFFFFFFF0]  }
0xb3: {  	[tilespmem:s18+$0xFFFFFFC0] =	vst v5;
	v14 =	vmax.f32 v3, $0.0e+00;
	v8 =	vadd.f32 v10, v8;
	v10 =	vld [tilespmem:s31+$0x10];
	s31 =	smov.u32 s12  }
.Ltmp1:
0xb4: {  	v3 =	vld [tilespmem:s30+$0xFFFFFFD0];
	[tilespmem:s18+$0xFFFFFFE0] =	vst v4;
	v12 =	vadd.f32 v12, v2;
	(pc) =	sbr.rel @p0 .LBB2_5-.Ltmp1, $4  }
0xb5: {  	v5 =	vld [tilespmem:s11+$0xFFFFFFD0];
	[tilespmem:s18+$0x0] =	vst v14;
	v2 =	vadd.f32 v9, v8  }
0xb6: {  	v4 =	vld [tilespmem:s30+$0xFFFFFFF0];
	v8 =	vadd.f32 v6, v11  }
0xb7: {  	v6 =	vld [tilespmem:s11+$0xFFFFFFF0];
	v9 =	vmax.f32 v2, $0.0e+00;
	v7 =	vadd.f32 v13, v7  }
0xb8: {  	v2 =	vld [tilespmem:s30+$0x10];
	[tilespmem:s18+$0x30] =	vst v9;
	s30 =	sadd.s32 $0x80, s30;
	v9 =	vmax.f32 v8, $0.0e+00;
	v8 =	vadd.f32 v10, v12  }
0xb9: {  	v10 =	vld [tilespmem:s0+$0x10]  }
0xba: {  	v11 =	vld [tilespmem:s31+$0xFFFFFFD0]  }
0xbb: {  	v12 =	vld [tilespmem:s31+$0xFFFFFFF0]  }
0xbc: {  	v13 =	vld [tilespmem:s31+$0x10]  }
0xbd: {  	v3 =	vadd.f32 v5, v3  }
0xbe: {  	v4 =	vadd.f32 v6, v4  }
0xbf: {  	[tilespmem:s17+$0xFFFFFFD0] =	vst v9;
	v5 =	vmax.f32 v7, $0.0e+00;
	v2 =	vadd.f32 v10, v2;
	v3 =	vadd.f32 v11, v3  }
0xc0: {  	[tilespmem:s17+$0xFFFFFFF0] =	vst v5;
	v5 =	vmax.f32 v8, $0.0e+00;
	v4 =	vadd.f32 v12, v4  }
0xc1: {  	[tilespmem:s17+$0x10] =	vst v5;
	v3 =	vmax.f32 v3, $0.0e+00;
	v2 =	vadd.f32 v13, v2  }
0xc2: {  	s17 =	smul.u32 $0x140, s20;
	[tilespmem:s18+$0xFFFFFFD0] =	vst v3;
	v3 =	vmax.f32 v4, $0.0e+00  }
0xc3: {  	[tilespmem:s18+$0xFFFFFFF0] =	vst v3;
	v2 =	vmax.f32 v2, $0.0e+00  }
0xc4: {  	s0 =	sshra.s32 s17, $0x2;
	[tilespmem:s18+$0x10] =	vst v2  }
0xc5: {  	[spmem:s2] =	stream.indirect.scatter.add.f32 [tilespmem:s24], [sflag:$0x7], $0x20, s0, s23, $0xb8;
	[tilespmem:$0x11B48] =	vst v63  }
0xc6: {  	_ =	swait.ge [sflag:s19], $0x500  }
0xc7: {  	[sflag:s19] =	ssyncset.done $0x0  }
0xc8: {  	[sflag:s19] =	ssyncadd.s32 $0xFFFFFB00  }
0xc9: {  	[spmem:s3] =	stream.indirect.scatter.add.f32 [tilespmem:s25], [sflag:$0x7], $0x1, s0, s23, $0xb8;
	[tilespmem:$0x11B48] =	vst v63  }
0xca: {  	p0 =	seq.s32 s20, $0x7C;
	_ =	swait.ge [sflag:s19], $0x28  }
0xcb: {  	s4 =	simm.s32 @!p0 $0x28;
	[sflag:s19] =	ssyncset.done $0x0  }
0xcc: {  	s11 =	simm.s32 @!p0 $0x4E20;
	s0 =	sadd.s32 @!p0 $0x50, s16;
	[sflag:s19] =	ssyncadd.s32 $0xFFFFFFD8  }
0xcd: {  	[tilespmem:s11], [sflag:$0x1] =	stream.indirect.gather @!p0 [hbm4b:s5+s4], $0x20, s0, s4, $0xb8;
	[tilespmem:$0x11B48] =	vst v63  }
0xce: {  	s0 =	sadd.s32 @!p0 s14, s0  }
0xcf: {  	s12 =	simm.s32 @!p0 $0x5820;
	s11 =	sadd.s32 @!p0 $0x2760, s16;
	s0 =	sshll.u32 @!p0 s0, $0x7  }
0xd0: {  	[tilespmem:s12], [sflag:$0x3] =	stream.indirect.gather @!p0 [hbm4b:s6+s4], $0x20, s11, s4, $0xb8;
	[tilespmem:$0x11B48] =	vst v63  }
0xd1: {  	s0 =	sadd.s32 @!p0 s8, s0  }
0xd2: {  	s4 =	simm.s32 @!p0 $0x20;
	s0 =	sshrl.u32 @!p0 s0, $0x3  }
0xd3: {  	s11 =	simm.s32 @!p0 $0x80;
	s12 =	simm.s32 @!p0 $0x6220;
	s0 =	sadd.s32 @!p0 s7, s0  }
0xd4: {  	[tilespmem:s12], [sflag:$0x5] =	stream.strided.gather @!p0 [hbm4b:s0+s4], $0x500, s11, s4, $0x38;
	[tilespmem:$0x11B48] =	vst v63  }
0xd5: {  	_ =	swait.ge [sflag:s29], $0x500  }
0xd6: {  	[sflag:s29] =	ssyncset.done $0x0  }
0xd7: {  	[sflag:s29] =	ssyncadd.s32 $0xFFFFFB00  }
0xd8: {  	_ =	swait.ge [sflag:s1], $0x500  }
0xd9: {  	[sflag:s1] =	ssyncset.done $0x0  }
0xda: {  	[sflag:s1] =	ssyncadd.s32 $0xFFFFFB00  }
0xdb: {  	_ =	swait.ge [sflag:s9], $0x500  }
0xdc: {  	[sflag:s9] =	ssyncset.done $0x0  }
0xdd: {  	s18 =	simm.s32 $0x5390;
	[sflag:s9] =	ssyncadd.s32 $0xFFFFFB00  }
0xde: {  	s0 =	simm.s32 $0x5D90;
	v2 =	vld [tilespmem:s18+$0xFFFFFFF0]  }
0xdf: {  	v3 =	vld [tilespmem:s0+$0xFFFFFFF0]  }
0xe0: {  	s31 =	simm.s32 $0x6790;
	v4 =	vld [tilespmem:s0+$0xFFFFFF90]  }
0xe1: {  	v5 =	vld [tilespmem:s31+$0xFFFFFFF0]  }
0xe2: {  	v6 =	vld [tilespmem:s18+$0xFFFFFFB0]  }
0xe3: {  	v7 =	vld [tilespmem:s0+$0xFFFFFFB0]  }
0xe4: {  	v8 =	vld [tilespmem:s18+$0xFFFFFF90]  }
0xe5: {  	v9 =	vld [tilespmem:s18+$0xFFFFFFD0]  }
0xe6: {  	s11 =	simm.s32 $0x5E10;
	v10 =	vld [tilespmem:s0+$0xFFFFFFD0]  }
0xe7: {  	v11 =	vld [tilespmem:s11+$0xFFFFFFF0]  }
0xe8: {  	s12 =	simm.s32 $0x6810;
	v56 =	vld [tilespmem:s11+$0xFFFFFF90]  }
0xe9: {  	s30 =	simm.s32 $0x5410;
	v57 =	vld [tilespmem:s12+$0xFFFFFFF0]  }
0xea: {  	v14 =	vld [tilespmem:s30+$0xFFFFFFB0]  }
0xeb: {  	v15 =	vld [tilespmem:s11+$0xFFFFFFB0]  }
0xec: {  	v16 =	vld [tilespmem:s30+$0xFFFFFFD0]  }
0xed: {  	v17 =	vld [tilespmem:s30+$0xFFFFFF90]  }
0xee: {  	v2 =	vadd.f32 v3, v2;
	v3 =	vld [tilespmem:s31+$0xFFFFFF90]  }
0xef: {  	v58 =	vld [tilespmem:s12+$0xFFFFFF90]  }
0xf0: {  	v18 =	vld [tilespmem:s12+$0xFFFFFFB0];
	v2 =	vadd.f32 v5, v2  }
0xf1: {  	v4 =	vadd.f32 v4, v8;
	v5 =	vld [tilespmem:s31+$0xFFFFFFB0]  }
0xf2: {  	s16 =	simm.s32 $0x7190;
	v8 =	vld [tilespmem:s31+$0xFFFFFFD0];
	v2 =	vmax.f32 v2, $0.0e+00  }
0xf3: {  	[tilespmem:s16+$0xFFFFFFF0] =	vst v2;
	v2 =	vadd.f32 v3, v4;
	v4 =	vadd.f32 v10, v9;
	v10 =	vld [tilespmem:s30+$0xFFFFFFF0]  }
0xf4: {  	v19 =	vld [tilespmem:s12+$0xFFFFFFD0];
	v6 =	vadd.f32 v7, v6  }
0xf5: {  	v3 =	vld [tilespmem:s18+$0x0]  }
0xf6: {  	v7 =	vld [tilespmem:s0+$0x0];
	v5 =	vadd.f32 v5, v6;
	v2 =	vmax.f32 v2, $0.0e+00  }
0xf7: {  	v6 =	vld [tilespmem:s31+$0x0];
	[tilespmem:s16+$0xFFFFFF90] =	vst v2  }
0xf8: {  	v2 =	vadd.f32 v8, v4;
	v4 =	vmax.f32 v5, $0.0e+00;
	v5 =	vld [tilespmem:s18+$0xFFFFFFA0];
	v10 =	vadd.f32 v11, v10  }
0xf9: {  	[tilespmem:s16+$0xFFFFFFB0] =	vst v4;
	v4 =	vld [tilespmem:s0+$0xFFFFFFA0]  }
0xfa: {  	v11 =	vld [tilespmem:s11+$0xFFFFFFD0];
	v10 =	vadd.f32 v57, v10  }
0xfb: {  	v2 =	vmax.f32 v2, $0.0e+00;
	v8 =	vld [tilespmem:s18+$0xFFFFFFC0]  }
0xfc: {  	s17 =	simm.s32 $0x7210;
	[tilespmem:s16+$0xFFFFFFD0] =	vst v2;
	v2 =	vld [tilespmem:s0+$0xFFFFFFC0];
	v10 =	vmax.f32 v10, $0.0e+00  }
0xfd: {  	v3 =	vadd.f32 v7, v3;
	v7 =	vld [tilespmem:s31+$0xFFFFFFA0];
	[tilespmem:s17+$0xFFFFFFF0] =	vst v10  }
0xfe: {  	v10 =	vld [tilespmem:s30+$0x0]  }
0xff: {  	v12 =	vadd.f32 v56, v17;
	v59 =	vld [tilespmem:s11+$0x0]  }
0x100: {  	v9 =	vld [tilespmem:s18+$0xFFFFFFE0]  }
0x101: {  	v14 =	vadd.f32 v15, v14;
	v12 =	vadd.f32 v58, v12;
	v60 =	vld [tilespmem:s12+$0x0]  }
0x102: {  	v20 =	vld [tilespmem:s0+$0xFFFFFFE0]  }
0x103: {  	v14 =	vadd.f32 v18, v14;
	v12 =	vmax.f32 v12, $0.0e+00;
	v61 =	vld [tilespmem:s31+$0xFFFFFFC0];
	v11 =	vadd.f32 v11, v16  }
0x104: {  	[tilespmem:s17+$0xFFFFFF90] =	vst v12;
	v62 =	vld [tilespmem:s31+$0xFFFFFFE0];
	v6 =	vadd.f32 v6, v3;
	v10 =	vadd.f32 v59, v10  }
0x105: {  	v3 =	vld [tilespmem:s30+$0xFFFFFFA0];
	v63 =	vadd.f32 v4, v5;
	v5 =	vmax.f32 v14, $0.0e+00;
	v4 =	vadd.f32 v19, v11  }
0x106: {  	v6 =	vmax.f32 v6, $0.0e+00;
	v2 =	vadd.f32 v2, v8;
	[tilespmem:s17+$0xFFFFFFB0] =	vst v5;
	v5 =	vld [tilespmem:s11+$0xFFFFFFA0];
	v8 =	vadd.f32 v60, v10  }
0x107: {  	[tilespmem:s16+$0x0] =	vst v6;
	v6 =	vmax.f32 v4, $0.0e+00;
	v4 =	vld [tilespmem:s30+$0xFFFFFFC0];
	v10 =	vadd.f32 v20, v9;
	v9 =	vadd.f32 v7, v63  }
0x108: {  	s4 =	simm.s32 $0x4;
	[tilespmem:s17+$0xFFFFFFD0] =	vst v6;
	v6 =	vld [tilespmem:s11+$0xFFFFFFC0];
	v7 =	vadd.f32 v61, v2;
	v8 =	vmax.f32 v8, $0.0e+00  }
0x109: {  	s18 =	simm.s32 $0x5490;
	s0 =	simm.s32 $0x5E10;
	v2 =	vld [tilespmem:s30+$0xFFFFFFE0];
	s30 =	simm.s32 $0x6810;
	v9 =	vmax.f32 v9, $0.0e+00;
	[tilespmem:s17+$0x0] =	vst v8;
	v8 =	vadd.f32 v62, v10  }
.LBB2_7:
0x10a: {  	v10 =	vld [tilespmem:s18+$0xFFFFFFF0];
	s11 =	sadd.s32 $0x80, s11;
	[tilespmem:s16+$0xFFFFFFA0] =	vst v9;
	v7 =	vmax.f32 v7, $0.0e+00  }
0x10b: {  	v9 =	vld [tilespmem:s11+$0xFFFFFFF0];
	v11 =	vadd.f32 v5, v3;
	[tilespmem:s16+$0xFFFFFFC0] =	vst v7;
	v3 =	vmax.f32 v8, $0.0e+00  }
0x10c: {  	s4 =	sadd.s32 $0x4, s4;
	s12 =	sadd.s32 $0x80, s12;
	v5 =	vld [tilespmem:s11+$0xFFFFFF90];
	[tilespmem:s16+$0xFFFFFFE0] =	vst v3;
	s16 =	smov.u32 s17  }
0x10d: {  	p0 =	slt.u32 s4, $0x24;
	v3 =	vld [tilespmem:s12+$0xFFFFFFF0];
	v7 =	vadd.f32 v6, v4  }
0x10e: {  	v4 =	vld [tilespmem:s18+$0xFFFFFFB0]  }
0x10f: {  	v6 =	vld [tilespmem:s11+$0xFFFFFFB0]  }
0x110: {  	v8 =	vld [tilespmem:s18+$0xFFFFFFD0];
	v9 =	vadd.f32 v9, v10  }
0x111: {  	v10 =	vld [tilespmem:s11+$0xFFFFFFD0]  }
0x112: {  	v12 =	vld [tilespmem:s18+$0xFFFFFF90];
	v3 =	vadd.f32 v3, v9  }
0x113: {  	v9 =	vld [tilespmem:s12+$0xFFFFFF90]  }
0x114: {  	s17 =	sadd.s32 $0x80, s17;
	v13 =	vld [tilespmem:s12+$0xFFFFFFB0];
	v4 =	vadd.f32 v6, v4;
	v3 =	vmax.f32 v3, $0.0e+00  }
0x115: {  	v6 =	vld [tilespmem:s12+$0xFFFFFFD0];
	[tilespmem:s17+$0xFFFFFFF0] =	vst v3  }
0x116: {  	v3 =	vadd.f32 v10, v8;
	v8 =	vld [tilespmem:s18+$0x0]  }
0x117: {  	v5 =	vadd.f32 v5, v12;
	v10 =	vld [tilespmem:s11+$0x0]  }
0x118: {  	v12 =	vld [tilespmem:s0+$0xFFFFFFE0];
	s0 =	smov.u32 s11  }
0x119: {  	v5 =	vadd.f32 v9, v5;
	v4 =	vadd.f32 v13, v4;
	v9 =	vld [tilespmem:s12+$0x0]  }
0x11a: {  	v3 =	vadd.f32 v6, v3;
	v6 =	vld [tilespmem:s30+$0xFFFFFFA0]  }
0x11b: {  	v5 =	vmax.f32 v5, $0.0e+00;
	v4 =	vmax.f32 v4, $0.0e+00;
	v13 =	vld [tilespmem:s30+$0xFFFFFFC0]  }
0x11c: {  	[tilespmem:s17+$0xFFFFFF90] =	vst v5;
	v14 =	vmax.f32 v3, $0.0e+00;
	v8 =	vadd.f32 v10, v8;
	v10 =	vld [tilespmem:s30+$0xFFFFFFE0];
	s30 =	smov.u32 s12  }
.Ltmp2:
0x11d: {  	v3 =	vld [tilespmem:s18+$0xFFFFFFA0];
	[tilespmem:s17+$0xFFFFFFB0] =	vst v4;
	v12 =	vadd.f32 v12, v2;
	(pc) =	sbr.rel @p0 .LBB2_7-.Ltmp2, $4  }
0x11e: {  	v5 =	vld [tilespmem:s11+$0xFFFFFFA0];
	[tilespmem:s17+$0xFFFFFFD0] =	vst v14;
	v2 =	vadd.f32 v9, v8  }
0x11f: {  	v4 =	vld [tilespmem:s18+$0xFFFFFFC0];
	v8 =	vadd.f32 v6, v11  }
0x120: {  	v6 =	vld [tilespmem:s11+$0xFFFFFFC0];
	v9 =	vmax.f32 v2, $0.0e+00;
	v7 =	vadd.f32 v13, v7  }
0x121: {  	v2 =	vld [tilespmem:s18+$0xFFFFFFE0];
	[tilespmem:s17+$0x0] =	vst v9;
	s18 =	sadd.s32 $0x80, s18;
	v9 =	vmax.f32 v8, $0.0e+00;
	v8 =	vadd.f32 v10, v12  }
0x122: {  	v10 =	vld [tilespmem:s0+$0xFFFFFFE0]  }
0x123: {  	v11 =	vld [tilespmem:s30+$0xFFFFFFA0]  }
0x124: {  	v12 =	vld [tilespmem:s30+$0xFFFFFFC0]  }
0x125: {  	v13 =	vld [tilespmem:s30+$0xFFFFFFE0]  }
0x126: {  	v3 =	vadd.f32 v5, v3  }
0x127: {  	v4 =	vadd.f32 v6, v4  }
0x128: {  	[tilespmem:s16+$0xFFFFFFA0] =	vst v9;
	v62 =	vmax.f32 v7, $0.0e+00;
	v2 =	vadd.f32 v10, v2;
	v3 =	vadd.f32 v11, v3  }
0x129: {  	[tilespmem:s16+$0xFFFFFFC0] =	vst v62;
	v63 =	vmax.f32 v8, $0.0e+00;
	v4 =	vadd.f32 v12, v4  }
0x12a: {  	[tilespmem:s16+$0xFFFFFFE0] =	vst v63;
	v3 =	vmax.f32 v3, $0.0e+00;
	v2 =	vadd.f32 v13, v2  }
0x12b: {  	[tilespmem:s17+$0xFFFFFFA0] =	vst v3;
	v3 =	vmax.f32 v4, $0.0e+00  }
0x12c: {  	[tilespmem:s17+$0xFFFFFFC0] =	vst v3;
	v2 =	vmax.f32 v2, $0.0e+00  }
0x12d: {  	[tilespmem:s17+$0xFFFFFFE0] =	vst v2  }
0x12e: {  	[spmem:s2] =	stream.indirect.scatter.add.f32 [tilespmem:s10], [sflag:$0x7], $0x20, s15, s23, $0xb8;
	[tilespmem:$0x11B48] =	vst v63  }
0x12f: {  	s20 =	sadd.s32 $0x1, s20;
	_ =	swait.ge [sflag:s19], $0x500  }
0x130: {  	p0 =	sne.s32 s20, $0x7D;
	[sflag:s19] =	ssyncset.done $0x0  }
.Ltmp3:
0x131: {  	[sflag:s19] =	ssyncadd.s32 $0xFFFFFB00;
	(pc) =	sbr.rel @p0 .LBB2_4-.Ltmp3, $4  }
0x132: {  	[spmem:s3] =	stream.indirect.scatter.add.f32 [tilespmem:s25], [sflag:$0x7], $0x1, s15, s23, $0xb8;
	[tilespmem:$0x11B48] =	vst v63  }
0x133: {  	_ =	swait.ge [sflag:s19], $0x28  }
0x134: {  	[sflag:s19] =	ssyncset.done $0x0  }
0x135: {  	[sflag:s19] =	ssyncadd.s32 $0xFFFFFFD8  }
0x136: {  	s0 =	stileid.u32;
	[bflag:$0x0] =	sbarrier.arrive $0xFFFF  }
0x137: {  	s0 =	sshll.u32 s0, $0x6;
	s16 =	rddreg [dreg:$0x8]  }
0x138: {  	s11 =	rddreg [dreg:$0xb];
	s0 =	sor.u32 $0x1C07, s0;
	s4 =	sshrl.u32 s16, $0x3  }
0x139: {  	[hbm:s11], [sflag:s0] =	dma.local [spmem:s4], $0xA00  }
0x13a: {  	_ =	swait.ge [sflag:s19], $0xA00  }
0x13b: {  	[sflag:s19] =	ssyncset.done $0x0;
	s17 =	rddreg [dreg:$0x9]  }
0x13c: {  	s30 =	rddreg [dreg:$0xc];
	[sflag:s19] =	ssyncadd.s32 $0xFFFFF600;
	s20 =	sshrl.u32 s17, $0x3  }
0x13d: {  	[hbm:s30], [sflag:s0] =	dma.local [spmem:s20], $0x50  }
0x13e: {  	_ =	swait.ge [sflag:s19], $0x50  }
0x13f: {  	s18 =	rddreg [dreg:$0x5]  }
0x140: {  	s31 =	rddreg [dreg:$0xd];
	s18 =	sadd.s32 $0x1, s18  }
0x141: {  	p0 =	sne.s32 s18, s31  }
.Ltmp4:
0x142: {  	_ = 	snop;
	(pc) =	sbr.rel @p0 .LBB2_1-.Ltmp4, $3  }
0x143: {  	_ =	sdelay $0x1  }
0x144: {  	[sflag:s19] =	ssyncset.done $0x0  }
0x145: {  	[sflag:s19] =	ssyncadd.s32 $0xFFFFFFB0  }
0x146: {  	_ =	sfence.sel $0x180000  }
0x147: {  	[bflag:$0x0] =	sbarrier.arrive $0xFFFF  }
0x148: {  	_ =	strace $0x90000047  }
0x149: {  	s0 =	stileid.u32;
	[bflag:$0x2] =	sbarrier.arrive $0xFFFF  }
0x14a: {  	p0 =	sne.s32 s0, $0x0;
	s0 =	rddreg [dreg:$0x4]  }
0x14b: {  	s0 =	sadd.s32 @!p0 $0x100000, s0  }
0x14c: {  	[sflag:s0] =	ssyncadd.tile.s32 @!p0 $0x1;
	_ =	shalt  }
.Lfunc_end2:
_tile_overlayer_lowered:
.L_overlay_start_2:
0x14d: {  	(tag) =	ssettag $0x2  }
0x14e: {  	s0 =	rddreg [dreg:$0x0];
	s2 =	stileid.u32  }
0x14f: {  	s1 =	rddreg [dreg:$0x1];
	p0 =	sne.s32 s2, $0x0  }
0x150: {  	s3 =	rddreg [dreg:$0x2];
	[bflag:$0x3] =	sbarrier.arrive $0xFFFF;
	s2 =	simm.s32 @!p0 $0x1C07  }
0x151: {  	[timem:s3], [sflag:s2] =	dma.local @!p0 [hbm:s0], s1  }
0x152: {  	s0 =	simm.s32 @!p0 $0x7  }
0x153: {  	_ =	swait.ge @!p0 [sflag:s0], s1  }
0x154: {  	s1 =	ssub.s32 @!p0 $0x0, s1;
	[sflag:s0] =	ssyncset.done @!p0 $0x0  }
0x155: {  	[sflag:s0] =	ssyncadd.s32 @!p0 s1  }
0x156: {  	[bflag:$0x3] =	sbarrier.arrive $0xFFFF  }
0x157: {  	_ =	shalt  }

</sc_bundles>
